<compile_context>
chip_gen: v7x
topology: tpu7x:2x2x1
jax: 0.10.2.dev20260603
libtpu: 0.0.44.dev20260713+nightly
codegen_flags: <defaults>
</compile_context>

<pallas_src>
import functools

import jax
import jax.numpy as jnp
from jax import lax
from jax.experimental import pallas as pl
from jax.experimental.pallas import tpu as pltpu
from jax.experimental.pallas import tpu_sc as plsc

_N1 = 16384
_N2 = 16384
_D = 128
_NB = 16
_HID = 128

_BM = 2048
_BQ = 256
_BK = 512
_NQB = _N2 // _BQ


def _k1_body(bounds_ref, x2t_ref, x1t_ref, xf_ref, w1_ref,
             b1_ref, u_ref, col_ref):
    q = pl.program_id(0)

    u = jnp.dot(xf_ref[...], w1_ref[0:_D, :],
                preferred_element_type=jnp.float32)
    t3 = x1t_ref[0:3, pl.ds(q * _BQ, _BQ)]
    u += lax.dot_general(t3, w1_ref[_D:, :], (((0,), (0,)), ((), ())),
                         preferred_element_type=jnp.float32)
    u_ref[...] = u + b1_ref[...]

    lo = bounds_ref[q, 0]
    hi = bounds_ref[q, 1]
    kb0 = lo // _BK
    kb1 = (hi + _BK - 1) // _BK
    t4 = x2t_ref[...]
    m2x = jnp.swapaxes(-2.0 * t4[0:1, :], 0, 1)
    m2y = jnp.swapaxes(-2.0 * t4[1:2, :], 0, 1)
    m2z = jnp.swapaxes(-2.0 * t4[2:3, :], 0, 1)
    qb = jnp.swapaxes(t4[3:4, :], 0, 1)
    inf = jnp.float32(jnp.inf)
    lanef = lax.broadcasted_iota(jnp.int32, (_BQ, _BK), 1).astype(jnp.float32)

    def one_tile(kb, valid, carry):
        bd, bl, bk = carry
        off = kb * _BK
        px = x1t_ref[0:1, pl.ds(off, _BK)]
        py = x1t_ref[1:2, pl.ds(off, _BK)]
        pz = x1t_ref[2:3, pl.ds(off, _BK)]
        ppt = x1t_ref[3:4, pl.ds(off, _BK)]
        tb = x1t_ref[4:5, pl.ds(off, _BK)]
        d = ppt + px * m2x + py * m2y + pz * m2z
        d = jnp.where(qb == tb, d, inf)
        tmin = jnp.min(d, axis=1, keepdims=True)
        cand = jnp.where(d == tmin, lanef, jnp.float32(1e9))
        targ = jnp.min(cand, axis=1, keepdims=True)
        upd = (tmin < bd) & valid
        kbf = jnp.full((_BQ, 1), kb, jnp.float32)
        return (jnp.where(upd, tmin, bd), jnp.where(upd, targ, bl),
                jnp.where(upd, kbf, bk))

    last_kb = jnp.int32(_N1 // _BK - 1)

    def tile3(i, carry):
        kb = kb0 + 3 * i
        carry = one_tile(kb, True, carry)
        kbb = jnp.minimum(kb + 1, last_kb)
        carry = one_tile(kbb, kb + 1 < kb1, carry)
        kbc = jnp.minimum(kb + 2, last_kb)
        return one_tile(kbc, kb + 2 < kb1, carry)

    bd0 = jnp.full((_BQ, 1), inf, jnp.float32)
    bl0 = jnp.zeros((_BQ, 1), jnp.float32)
    bk0 = jnp.zeros((_BQ, 1), jnp.float32)
    trips = (kb1 - kb0 + 2) // 3
    _, bl, bk = lax.fori_loop(0, trips, tile3, (bd0, bl0, bk0))
    col = (bk * float(_BK) + bl).astype(jnp.int32)
    col_ref[...] = col.T.reshape(1, 1, _BQ)


def _mlp_body(g_ref, x2t_ref, w1_ref, w2_ref, b2_ref, o_ref):
    i = pl.program_id(0)
    t3 = x2t_ref[0:3, pl.ds(i * _BM, _BM)]
    v = lax.dot_general(t3, w1_ref[_D:, :], (((0,), (0,)), ((), ())),
                        preferred_element_type=jnp.float32)
    h1 = jnp.maximum(g_ref[...] - v, 0.0)
    h2 = jnp.dot(h1, w2_ref[...], preferred_element_type=jnp.float32) + b2_ref[...]
    o_ref[...] = jnp.maximum(h2, 0.0)


def kernel(x1_features, x1_pos, x1_batch, x2_features, x2_pos, x2_batch,
           W1, b1, W2, b2):
    b1r = b1.reshape(1, _HID)
    b2r = b2.reshape(1, _HID)
    pp = jnp.sum(x1_pos * x1_pos, axis=1)[None, :]
    x1bf = x1_batch.astype(jnp.float32)[None, :]
    x2bf = x2_batch.astype(jnp.float32)[None, :]
    x1t = jnp.concatenate([x1_pos.T, pp, x1bf], 0)
    x2t = jnp.concatenate([x2_pos.T, x2bf], 0)

    bids = jnp.arange(_NB, dtype=jnp.int32)
    x1bi = x1_batch.astype(jnp.int32)[None, :]
    x2bi = x2_batch.astype(jnp.int32)[None, :]
    cnt = jnp.sum((x1bi == bids[:, None]).astype(jnp.int32), axis=1)
    ends = jnp.cumsum(cnt)
    starts = ends - cnt
    cnt2 = jnp.sum((x2bi == bids[:, None]).astype(jnp.int32), axis=1)
    ends2 = jnp.cumsum(cnt2)
    qfirst = jnp.arange(_NQB, dtype=jnp.int32)[:, None] * _BQ
    blo = jnp.sum((ends2[None, :] <= qfirst).astype(jnp.int32), axis=1)
    bhi = jnp.sum((ends2[None, :] <= qfirst + (_BQ - 1)).astype(jnp.int32), axis=1)
    bounds = jnp.stack([starts[blo], ends[bhi]], axis=1).astype(jnp.int32)

    u, col3 = pl.pallas_call(
        _k1_body,
        grid_spec=pltpu.PrefetchScalarGridSpec(
            num_scalar_prefetch=1,
            grid=(_NQB,),
            in_specs=[
                pl.BlockSpec((4, _BQ), lambda q, b: (0, q)),
                pl.BlockSpec((5, _N1), lambda q, b: (0, 0)),
                pl.BlockSpec((_BQ, _D), lambda q, b: (q, 0)),
                pl.BlockSpec((_D + 3, _HID), lambda q, b: (0, 0)),
                pl.BlockSpec((1, _HID), lambda q, b: (0, 0)),
            ],
            out_specs=[
                pl.BlockSpec((_BQ, _HID), lambda q, b: (q, 0)),
                pl.BlockSpec((1, 1, _BQ), lambda q, b: (q, 0, 0)),
            ],
        ),
        out_shape=[
            jax.ShapeDtypeStruct((_N1, _HID), jnp.float32),
            jax.ShapeDtypeStruct((_NQB, 1, _BQ), jnp.int32),
        ],
    )(bounds, x2t, x1t, x1_features, W1, b1r)
    col = col3.reshape(_N2)

    info = plsc.get_sparse_core_info()
    nw = info.num_cores * info.num_subcores
    bpw = _N2 // nw
    nch = bpw // 128
    col3d = col.reshape(nw, nch, 128)
    mesh = plsc.VectorSubcoreMesh(core_axis_name="c", subcore_axis_name="s")

    @functools.partial(
        pl.kernel,
        out_type=jax.ShapeDtypeStruct((_N2, _HID), jnp.float32),
        mesh=mesh,
        scratch_types=[
            pltpu.VMEM((nch, 128), jnp.int32),
            pltpu.VMEM((bpw, _HID), jnp.float32),
            pltpu.SemaphoreType.DMA,
        ],
    )
    def _sc_gather(u_hbm, idx_hbm, out_hbm, idx_v, rows_v, sem):
        w = lax.axis_index("s") * info.num_cores + lax.axis_index("c")
        pltpu.sync_copy(idx_hbm.at[w], idx_v)
        cps = [
            pltpu.async_copy(u_hbm.at[idx_v.at[j]],
                             rows_v.at[pl.ds(j * 128, 128)], sem)
            for j in range(nch)
        ]
        for cp in cps:
            cp.wait()
        pltpu.sync_copy(rows_v, out_hbm.at[pl.ds(w * bpw, bpw)])

    g = _sc_gather(u, col3d)

    out = pl.pallas_call(
        _mlp_body,
        grid=(_N2 // _BM,),
        in_specs=[
            pl.BlockSpec((_BM, _HID), lambda i: (i, 0)),
            pl.BlockSpec((4, _N2), lambda i: (0, 0)),
            pl.BlockSpec((_D + 3, _HID), lambda i: (0, 0)),
            pl.BlockSpec((_HID, _HID), lambda i: (0, 0)),
            pl.BlockSpec((1, _HID), lambda i: (0, 0)),
        ],
        out_specs=pl.BlockSpec((_BM, _HID), lambda i: (i, 0)),
        out_shape=jax.ShapeDtypeStruct((_N2, _HID), jnp.float32),
    )(g, x2t, W1, W2, b2r)

    return (out, x2_pos, x2_batch)

# --- scband reference (transcript-rebuilt; emitter-appended) ---
"""Pipeline reference for scband-flow-embedding-layer-9070970929195 (READ-ONLY COPY).

The authoritative reference and input builder live on the scoring server;
editing this copy changes nothing except your own understanding.
"""

import jax, jax.numpy as jnp
import numpy as np

N1 = 16384
N2 = 16384
D = 128
NB = 16
HID = 128


def setup_inputs(seed: int = 0) -> dict:
    key = jax.random.key(seed)
    ks = jax.random.split(key, 10)
    x1_features = jax.random.normal(ks[0], (N1, D), dtype=jnp.float32)
    x1_pos = jax.random.normal(ks[1], (N1, 3), dtype=jnp.float32)
    x1_batch = jnp.sort(jax.random.randint(ks[2], (N1,), 0, NB))
    x2_features = jax.random.normal(ks[3], (N2, D), dtype=jnp.float32)
    x2_pos = jax.random.normal(ks[4], (N2, 3), dtype=jnp.float32)
    x2_batch = jnp.sort(jax.random.randint(ks[5], (N2,), 0, NB))
    # mlp = Sequential(Linear(131,128), ReLU, Linear(128,128), ReLU)
    W1 = jax.random.normal(ks[6], (D + 3, HID), dtype=jnp.float32) * 0.05
    b1 = jnp.zeros((HID,), dtype=jnp.float32)
    W2 = jax.random.normal(ks[7], (HID, HID), dtype=jnp.float32) * 0.05
    b2 = jnp.zeros((HID,), dtype=jnp.float32)
    return {
        'x1_features': x1_features, 'x1_pos': x1_pos, 'x1_batch': x1_batch,
        'x2_features': x2_features, 'x2_pos': x2_pos, 'x2_batch': x2_batch,
        'W1': W1, 'b1': b1, 'W2': W2, 'b2': b2,
    }


def _batched_knn1(x1_pos, x1_batch, x2_pos, x2_batch):
    # For each query point in x2, nearest neighbor (k=1) among x1 points
    # belonging to the same batch element. Chunked brute force.
    n_chunks = 8
    qp = x2_pos.reshape(n_chunks, -1, 3)
    qb = x2_batch.reshape(n_chunks, -1)

    def chunk_fn(c):
        q_pos, q_batch = c
        d = jnp.sum((q_pos[:, None, :] - x1_pos[None, :, :]) ** 2, axis=-1)
        d = jnp.where(q_batch[:, None] == x1_batch[None, :], d, jnp.inf)
        return jnp.argmin(d, axis=1)

    col = jax.lax.map(chunk_fn, (qp, qb))
    return col.reshape(-1)


def reference(x1_features, x1_pos, x1_batch, x2_features, x2_pos, x2_batch, W1, b1, W2, b2):
    # knn(x1_pos, x2_pos, 1, x1_batch, x2_batch): row = query idx into x2, col = idx into x1
    col = _batched_knn1(x1_pos, x1_batch, x2_pos, x2_batch)
    row = jnp.arange(N2)
    # PointConv (PointNetConv) bipartite: message_j->i = mlp([x1_feat_j, pos_j - pos_i]), max-aggregate per target i
    msg_in = jnp.concatenate([jnp.take(x1_features, col, axis=0), jnp.take(x1_pos, col, axis=0) - x2_pos], axis=-1)
    h = jnp.maximum(msg_in @ W1 + b1, 0.0)
    h = jnp.maximum(h @ W2 + b2, 0.0)
    x = jax.ops.segment_max(h, row, num_segments=N2)
    return (x, x2_pos, x2_batch)

if __name__ == "__main__":
    import jax
    _d = setup_inputs()
    print(jax.jit(kernel)(*tuple(_d.values())))

</pallas_src>

<mosaic_0001>
#map = affine_map<(d0, d1) -> (0, 0)>
#map1 = affine_map<(d0, d1) -> (0, 0, 0)>
module attributes {stable_mosaic.version = 14 : i64} {
  func.func @_sc_gather(%arg0: i32, %arg1: i32, %arg2: memref<16384x128xf32, #tpu.memory_space<hbm>>, %arg3: memref<32x4x128xi32, #tpu.memory_space<hbm>>, %arg4: memref<16384x128xf32, #tpu.memory_space<hbm>>, %arg5: memref<4x128xi32, #tpu.memory_space<vmem>>, %arg6: memref<512x128xf32, #tpu.memory_space<vmem>>, %arg7: memref<!tpu.dma_semaphore, #tpu.memory_space<semaphore_mem>>) attributes {dimension_semantics = [#tpu.dimension_semantics<core_parallel>, #tpu.dimension_semantics<subcore_parallel>], iteration_bounds = array<i64: 2, 16>, scalar_prefetch = 0 : i64, scratch_operands = 3 : i64, tpu.core_type = #tpu.core_type<sc_vector_subcore>, window_params = [{transform_indices = #map}, {transform_indices = #map1}, {transform_indices = #map}]} {
    %mul3A = arith.constant 2 : i32
    %mul3A_0 = arith.muli %arg1, %mul3A : i32
    %add3A = arith.addi %mul3A_0, %arg0 : i32
    "tpu.region"() ({
      %run_scoped3A = tpu.sem_alloc : memref<!tpu.dma_semaphore, #tpu.memory_space<semaphore_mem>>
      %dma_start3A_81 = arith.constant 0 : i32
      %dma_start3A_82 = arith.constant 0 : i32
      %dma_start3A_83 = tpu.memref_slice %arg3[%add3A, %dma_start3A_81, %dma_start3A_82] : memref<32x4x128xi32, #tpu.memory_space<hbm>> -> memref<1x4x128xi32, #tpu.memory_space<hbm>>
      %dma_start3A_84 = tpu.memref_squeeze %dma_start3A_83 : memref<1x4x128xi32, #tpu.memory_space<hbm>> -> memref<4x128xi32, #tpu.memory_space<hbm>>
      %dma_start3A_85 = arith.constant 0 : i32
      %dma_start3A_86 = arith.constant 0 : i32
      %dma_start3A_87 = tpu.memref_slice %arg3[%add3A, %dma_start3A_85, %dma_start3A_86] : memref<32x4x128xi32, #tpu.memory_space<hbm>> -> memref<1x4x128xi32, #tpu.memory_space<hbm>>
      %dma_start3A_88 = tpu.memref_squeeze %dma_start3A_87 : memref<1x4x128xi32, #tpu.memory_space<hbm>> -> memref<4x128xi32, #tpu.memory_space<hbm>>
      tpu.enqueue_dma source(%dma_start3A_88 : memref<4x128xi32, #tpu.memory_space<hbm>>) target(%arg5 : memref<4x128xi32, #tpu.memory_space<vmem>>) target_semaphore(%run_scoped3A : memref<!tpu.dma_semaphore, #tpu.memory_space<semaphore_mem>>)
      %dma_wait3A_89 = arith.constant 0 : i32
      %dma_wait3A_90 = arith.constant 0 : i32
      %dma_wait3A_91 = tpu.memref_slice %arg3[%add3A, %dma_wait3A_89, %dma_wait3A_90] : memref<32x4x128xi32, #tpu.memory_space<hbm>> -> memref<1x4x128xi32, #tpu.memory_space<hbm>>
      %dma_wait3A_92 = tpu.memref_squeeze %dma_wait3A_91 : memref<1x4x128xi32, #tpu.memory_space<hbm>> -> memref<4x128xi32, #tpu.memory_space<hbm>>
      %dma_wait3A_93 = arith.constant 0 : i32
      %dma_wait3A_94 = arith.constant 0 : i32
      %dma_wait3A_95 = tpu.memref_slice %arg3[%add3A, %dma_wait3A_93, %dma_wait3A_94] : memref<32x4x128xi32, #tpu.memory_space<hbm>> -> memref<1x4x128xi32, #tpu.memory_space<hbm>>
      %dma_wait3A_96 = tpu.memref_squeeze %dma_wait3A_95 : memref<1x4x128xi32, #tpu.memory_space<hbm>> -> memref<4x128xi32, #tpu.memory_space<hbm>>
      tpu.wait_dma2 semaphore(%run_scoped3A : memref<!tpu.dma_semaphore, #tpu.memory_space<semaphore_mem>>) src(%dma_wait3A_96 : memref<4x128xi32, #tpu.memory_space<hbm>>) dst(%arg5 : memref<4x128xi32, #tpu.memory_space<vmem>>)
      tpu.yield
    }) : () -> ()
    %dma_start3A = arith.constant 0 : i32
    %dma_start3A_1 = arith.constant 0 : i32
    %dma_start3A_2 = arith.constant 0 : i32
    %dma_start3A_3 = tpu.memref_slice %arg6[%dma_start3A_1, %dma_start3A_2] : memref<512x128xf32, #tpu.memory_space<vmem>> -> memref<128x128xf32, #tpu.memory_space<vmem>>
    %dma_start3A_4 = arith.constant 0 : i32
    %dma_start3A_5 = tpu.memref_slice %arg5[%dma_start3A, %dma_start3A_4] : memref<4x128xi32, #tpu.memory_space<vmem>> -> memref<1x128xi32, #tpu.memory_space<vmem>>
    %dma_start3A_6 = tpu.memref_squeeze %dma_start3A_5 : memref<1x128xi32, #tpu.memory_space<vmem>> -> memref<128xi32, #tpu.memory_space<vmem>>
    %dma_start3A_7 = arith.constant 0 : i32
    %dma_start3A_8 = arith.constant 0 : i32
    %dma_start3A_9 = tpu.memref_slice %arg2[%dma_start3A_7, %dma_start3A_8] : memref<16384x128xf32, #tpu.memory_space<hbm>> -> memref<16384x128xf32, #tpu.memory_space<hbm>>
    tpu.enqueue_indirect_dma source(%dma_start3A_9 : memref<16384x128xf32, #tpu.memory_space<hbm>>) target(%dma_start3A_3 : memref<128x128xf32, #tpu.memory_space<vmem>>) offsets(%dma_start3A_6 : memref<128xi32, #tpu.memory_space<vmem>>) semaphore(%arg7 : memref<!tpu.dma_semaphore, #tpu.memory_space<semaphore_mem>>)
    %dma_start3A_10 = arith.constant 1 : i32
    %dma_start3A_11 = arith.constant 128 : i32
    %dma_start3A_12 = arith.constant 0 : i32
    %dma_start3A_13 = tpu.memref_slice %arg6[%dma_start3A_11, %dma_start3A_12] : memref<512x128xf32, #tpu.memory_space<vmem>> -> memref<128x128xf32, #tpu.memory_space<vmem>>
    %dma_start3A_14 = arith.constant 0 : i32
    %dma_start3A_15 = tpu.memref_slice %arg5[%dma_start3A_10, %dma_start3A_14] : memref<4x128xi32, #tpu.memory_space<vmem>> -> memref<1x128xi32, #tpu.memory_space<vmem>>
    %dma_start3A_16 = tpu.memref_squeeze %dma_start3A_15 : memref<1x128xi32, #tpu.memory_space<vmem>> -> memref<128xi32, #tpu.memory_space<vmem>>
    %dma_start3A_17 = arith.constant 0 : i32
    %dma_start3A_18 = arith.constant 0 : i32
    %dma_start3A_19 = tpu.memref_slice %arg2[%dma_start3A_17, %dma_start3A_18] : memref<16384x128xf32, #tpu.memory_space<hbm>> -> memref<16384x128xf32, #tpu.memory_space<hbm>>
    tpu.enqueue_indirect_dma source(%dma_start3A_19 : memref<16384x128xf32, #tpu.memory_space<hbm>>) target(%dma_start3A_13 : memref<128x128xf32, #tpu.memory_space<vmem>>) offsets(%dma_start3A_16 : memref<128xi32, #tpu.memory_space<vmem>>) semaphore(%arg7 : memref<!tpu.dma_semaphore, #tpu.memory_space<semaphore_mem>>)
    %dma_start3A_20 = arith.constant 2 : i32
    %dma_start3A_21 = arith.constant 256 : i32
    %dma_start3A_22 = arith.constant 0 : i32
    %dma_start3A_23 = tpu.memref_slice %arg6[%dma_start3A_21, %dma_start3A_22] : memref<512x128xf32, #tpu.memory_space<vmem>> -> memref<128x128xf32, #tpu.memory_space<vmem>>
    %dma_start3A_24 = arith.constant 0 : i32
    %dma_start3A_25 = tpu.memref_slice %arg5[%dma_start3A_20, %dma_start3A_24] : memref<4x128xi32, #tpu.memory_space<vmem>> -> memref<1x128xi32, #tpu.memory_space<vmem>>
    %dma_start3A_26 = tpu.memref_squeeze %dma_start3A_25 : memref<1x128xi32, #tpu.memory_space<vmem>> -> memref<128xi32, #tpu.memory_space<vmem>>
    %dma_start3A_27 = arith.constant 0 : i32
    %dma_start3A_28 = arith.constant 0 : i32
    %dma_start3A_29 = tpu.memref_slice %arg2[%dma_start3A_27, %dma_start3A_28] : memref<16384x128xf32, #tpu.memory_space<hbm>> -> memref<16384x128xf32, #tpu.memory_space<hbm>>
    tpu.enqueue_indirect_dma source(%dma_start3A_29 : memref<16384x128xf32, #tpu.memory_space<hbm>>) target(%dma_start3A_23 : memref<128x128xf32, #tpu.memory_space<vmem>>) offsets(%dma_start3A_26 : memref<128xi32, #tpu.memory_space<vmem>>) semaphore(%arg7 : memref<!tpu.dma_semaphore, #tpu.memory_space<semaphore_mem>>)
    %dma_start3A_30 = arith.constant 3 : i32
    %dma_start3A_31 = arith.constant 384 : i32
    %dma_start3A_32 = arith.constant 0 : i32
    %dma_start3A_33 = tpu.memref_slice %arg6[%dma_start3A_31, %dma_start3A_32] : memref<512x128xf32, #tpu.memory_space<vmem>> -> memref<128x128xf32, #tpu.memory_space<vmem>>
    %dma_start3A_34 = arith.constant 0 : i32
    %dma_start3A_35 = tpu.memref_slice %arg5[%dma_start3A_30, %dma_start3A_34] : memref<4x128xi32, #tpu.memory_space<vmem>> -> memref<1x128xi32, #tpu.memory_space<vmem>>
    %dma_start3A_36 = tpu.memref_squeeze %dma_start3A_35 : memref<1x128xi32, #tpu.memory_space<vmem>> -> memref<128xi32, #tpu.memory_space<vmem>>
    %dma_start3A_37 = arith.constant 0 : i32
    %dma_start3A_38 = arith.constant 0 : i32
    %dma_start3A_39 = tpu.memref_slice %arg2[%dma_start3A_37, %dma_start3A_38] : memref<16384x128xf32, #tpu.memory_space<hbm>> -> memref<16384x128xf32, #tpu.memory_space<hbm>>
    tpu.enqueue_indirect_dma source(%dma_start3A_39 : memref<16384x128xf32, #tpu.memory_space<hbm>>) target(%dma_start3A_33 : memref<128x128xf32, #tpu.memory_space<vmem>>) offsets(%dma_start3A_36 : memref<128xi32, #tpu.memory_space<vmem>>) semaphore(%arg7 : memref<!tpu.dma_semaphore, #tpu.memory_space<semaphore_mem>>)
    %dma_wait3A = arith.constant 0 : i32
    %dma_wait3A_40 = arith.constant 0 : i32
    %dma_wait3A_41 = arith.constant 0 : i32
    %dma_wait3A_42 = tpu.memref_slice %arg6[%dma_wait3A_40, %dma_wait3A_41] : memref<512x128xf32, #tpu.memory_space<vmem>> -> memref<128x128xf32, #tpu.memory_space<vmem>>
    %dma_wait3A_43 = arith.constant 0 : i32
    %dma_wait3A_44 = tpu.memref_slice %arg5[%dma_wait3A, %dma_wait3A_43] : memref<4x128xi32, #tpu.memory_space<vmem>> -> memref<1x128xi32, #tpu.memory_space<vmem>>
    %dma_wait3A_45 = tpu.memref_squeeze %dma_wait3A_44 : memref<1x128xi32, #tpu.memory_space<vmem>> -> memref<128xi32, #tpu.memory_space<vmem>>
    %dma_wait3A_46 = arith.constant 0 : i32
    %dma_wait3A_47 = arith.constant 0 : i32
    %dma_wait3A_48 = tpu.memref_slice %arg2[%dma_wait3A_46, %dma_wait3A_47] : memref<16384x128xf32, #tpu.memory_space<hbm>> -> memref<16384x128xf32, #tpu.memory_space<hbm>>
    tpu.wait_indirect_dma semaphore(%arg7 : memref<!tpu.dma_semaphore, #tpu.memory_space<semaphore_mem>>) src(%dma_wait3A_48 : memref<16384x128xf32, #tpu.memory_space<hbm>>) dst(%dma_wait3A_42 : memref<128x128xf32, #tpu.memory_space<vmem>>)
    %dma_wait3A_49 = arith.constant 1 : i32
    %dma_wait3A_50 = arith.constant 128 : i32
    %dma_wait3A_51 = arith.constant 0 : i32
    %dma_wait3A_52 = tpu.memref_slice %arg6[%dma_wait3A_50, %dma_wait3A_51] : memref<512x128xf32, #tpu.memory_space<vmem>> -> memref<128x128xf32, #tpu.memory_space<vmem>>
    %dma_wait3A_53 = arith.constant 0 : i32
    %dma_wait3A_54 = tpu.memref_slice %arg5[%dma_wait3A_49, %dma_wait3A_53] : memref<4x128xi32, #tpu.memory_space<vmem>> -> memref<1x128xi32, #tpu.memory_space<vmem>>
    %dma_wait3A_55 = tpu.memref_squeeze %dma_wait3A_54 : memref<1x128xi32, #tpu.memory_space<vmem>> -> memref<128xi32, #tpu.memory_space<vmem>>
    %dma_wait3A_56 = arith.constant 0 : i32
    %dma_wait3A_57 = arith.constant 0 : i32
    %dma_wait3A_58 = tpu.memref_slice %arg2[%dma_wait3A_56, %dma_wait3A_57] : memref<16384x128xf32, #tpu.memory_space<hbm>> -> memref<16384x128xf32, #tpu.memory_space<hbm>>
    tpu.wait_indirect_dma semaphore(%arg7 : memref<!tpu.dma_semaphore, #tpu.memory_space<semaphore_mem>>) src(%dma_wait3A_58 : memref<16384x128xf32, #tpu.memory_space<hbm>>) dst(%dma_wait3A_52 : memref<128x128xf32, #tpu.memory_space<vmem>>)
    %dma_wait3A_59 = arith.constant 2 : i32
    %dma_wait3A_60 = arith.constant 256 : i32
    %dma_wait3A_61 = arith.constant 0 : i32
    %dma_wait3A_62 = tpu.memref_slice %arg6[%dma_wait3A_60, %dma_wait3A_61] : memref<512x128xf32, #tpu.memory_space<vmem>> -> memref<128x128xf32, #tpu.memory_space<vmem>>
    %dma_wait3A_63 = arith.constant 0 : i32
    %dma_wait3A_64 = tpu.memref_slice %arg5[%dma_wait3A_59, %dma_wait3A_63] : memref<4x128xi32, #tpu.memory_space<vmem>> -> memref<1x128xi32, #tpu.memory_space<vmem>>
    %dma_wait3A_65 = tpu.memref_squeeze %dma_wait3A_64 : memref<1x128xi32, #tpu.memory_space<vmem>> -> memref<128xi32, #tpu.memory_space<vmem>>
    %dma_wait3A_66 = arith.constant 0 : i32
    %dma_wait3A_67 = arith.constant 0 : i32
    %dma_wait3A_68 = tpu.memref_slice %arg2[%dma_wait3A_66, %dma_wait3A_67] : memref<16384x128xf32, #tpu.memory_space<hbm>> -> memref<16384x128xf32, #tpu.memory_space<hbm>>
    tpu.wait_indirect_dma semaphore(%arg7 : memref<!tpu.dma_semaphore, #tpu.memory_space<semaphore_mem>>) src(%dma_wait3A_68 : memref<16384x128xf32, #tpu.memory_space<hbm>>) dst(%dma_wait3A_62 : memref<128x128xf32, #tpu.memory_space<vmem>>)
    %dma_wait3A_69 = arith.constant 3 : i32
    %dma_wait3A_70 = arith.constant 384 : i32
    %dma_wait3A_71 = arith.constant 0 : i32
    %dma_wait3A_72 = tpu.memref_slice %arg6[%dma_wait3A_70, %dma_wait3A_71] : memref<512x128xf32, #tpu.memory_space<vmem>> -> memref<128x128xf32, #tpu.memory_space<vmem>>
    %dma_wait3A_73 = arith.constant 0 : i32
    %dma_wait3A_74 = tpu.memref_slice %arg5[%dma_wait3A_69, %dma_wait3A_73] : memref<4x128xi32, #tpu.memory_space<vmem>> -> memref<1x128xi32, #tpu.memory_space<vmem>>
    %dma_wait3A_75 = tpu.memref_squeeze %dma_wait3A_74 : memref<1x128xi32, #tpu.memory_space<vmem>> -> memref<128xi32, #tpu.memory_space<vmem>>
    %dma_wait3A_76 = arith.constant 0 : i32
    %dma_wait3A_77 = arith.constant 0 : i32
    %dma_wait3A_78 = tpu.memref_slice %arg2[%dma_wait3A_76, %dma_wait3A_77] : memref<16384x128xf32, #tpu.memory_space<hbm>> -> memref<16384x128xf32, #tpu.memory_space<hbm>>
    tpu.wait_indirect_dma semaphore(%arg7 : memref<!tpu.dma_semaphore, #tpu.memory_space<semaphore_mem>>) src(%dma_wait3A_78 : memref<16384x128xf32, #tpu.memory_space<hbm>>) dst(%dma_wait3A_72 : memref<128x128xf32, #tpu.memory_space<vmem>>)
    %mul3A_79 = arith.constant 512 : i32
    %mul3A_80 = arith.muli %add3A, %mul3A_79 : i32
    "tpu.region"() ({
      %run_scoped3A = tpu.sem_alloc : memref<!tpu.dma_semaphore, #tpu.memory_space<semaphore_mem>>
      %dma_start3A_81 = arith.constant 0 : i32
      %dma_start3A_82 = tpu.memref_slice %arg4[%mul3A_80, %dma_start3A_81] : memref<16384x128xf32, #tpu.memory_space<hbm>> -> memref<512x128xf32, #tpu.memory_space<hbm>>
      %dma_start3A_83 = arith.constant 0 : i32
      %dma_start3A_84 = tpu.memref_slice %arg4[%mul3A_80, %dma_start3A_83] : memref<16384x128xf32, #tpu.memory_space<hbm>> -> memref<512x128xf32, #tpu.memory_space<hbm>>
      tpu.enqueue_dma source(%arg6 : memref<512x128xf32, #tpu.memory_space<vmem>>) target(%dma_start3A_84 : memref<512x128xf32, #tpu.memory_space<hbm>>) target_semaphore(%run_scoped3A : memref<!tpu.dma_semaphore, #tpu.memory_space<semaphore_mem>>)
      %dma_wait3A_85 = arith.constant 0 : i32
      %dma_wait3A_86 = tpu.memref_slice %arg4[%mul3A_80, %dma_wait3A_85] : memref<16384x128xf32, #tpu.memory_space<hbm>> -> memref<512x128xf32, #tpu.memory_space<hbm>>
      %dma_wait3A_87 = arith.constant 0 : i32
      %dma_wait3A_88 = tpu.memref_slice %arg4[%mul3A_80, %dma_wait3A_87] : memref<16384x128xf32, #tpu.memory_space<hbm>> -> memref<512x128xf32, #tpu.memory_space<hbm>>
      tpu.wait_dma2 semaphore(%run_scoped3A : memref<!tpu.dma_semaphore, #tpu.memory_space<semaphore_mem>>) src(%arg6 : memref<512x128xf32, #tpu.memory_space<vmem>>) dst(%dma_wait3A_88 : memref<512x128xf32, #tpu.memory_space<hbm>>)
      tpu.yield
    }) : () -> ()
    return
  }
}

module attributes {stable_mosaic.version = 14 : i64} {
  func.func @_k1_body(%arg0: i32, %arg1: memref<64x2xi32, #tpu.memory_space<smem>>, %arg2: memref<4x256xf32, #tpu.memory_space<vmem>>, %arg3: memref<5x16384xf32, #tpu.memory_space<vmem>>, %arg4: memref<256x128xf32, #tpu.memory_space<vmem>>, %arg5: memref<131x128xf32, #tpu.memory_space<vmem>>, %arg6: memref<1x128xf32, #tpu.memory_space<vmem>>, %arg7: memref<256x128xf32, #tpu.memory_space<vmem>>, %arg8: memref<1x1x256xi32, #tpu.memory_space<vmem>>) attributes {dimension_semantics = [#tpu.dimension_semantics<arbitrary>], iteration_bounds = array<i64: 64>, scalar_prefetch = 1 : i64, scratch_operands = 0 : i64, tpu.core_type = #tpu.core_type<tc>, window_params = [{transform_indices = @transform_0, window_bounds = array<i64: 4, 256>}, {pipeline_mode = #tpu.pipeline_mode<synchronous>, transform_indices = @transform_1, window_bounds = array<i64: 5, 16384>}, {transform_indices = @transform_2, window_bounds = array<i64: 256, 128>}, {pipeline_mode = #tpu.pipeline_mode<synchronous>, transform_indices = @transform_3, window_bounds = array<i64: 131, 128>}, {pipeline_mode = #tpu.pipeline_mode<synchronous>, transform_indices = @transform_4, window_bounds = array<i64: 1, 128>}, {transform_indices = @transform_5, window_bounds = array<i64: 256, 128>}, {transform_indices = @transform_6, window_bounds = array<i64: 1, 1, 256>}]} {
    %get3A = arith.constant 0 : index
    %get3A_0 = arith.constant 0 : index
    %get3A_1 = vector.load %arg4[%get3A, %get3A_0] : memref<256x128xf32, #tpu.memory_space<vmem>>, vector<256x128xf32>
    %get3A_2 = arith.constant 0 : index
    %get3A_3 = arith.constant 0 : index
    %get3A_4 = vector.load %arg5[%get3A_2, %get3A_3] : memref<131x128xf32, #tpu.memory_space<vmem>>, vector<128x128xf32>
    %dot_general3A = arith.constant dense<0.000000e+00> : vector<256x128xf32>
    %dot_general3A_5 = tpu.matmul %get3A_1, %get3A_4, %dot_general3A {dimension_numbers = #tpu.dot_dimension_numbers<[1], [0], [0], [1], [0, 0, 1, 1], [], []>, transpose_lhs_hint = false} : vector<256x128xf32>, vector<128x128xf32>, vector<256x128xf32> -> vector<256x128xf32>
    %mul3A = arith.constant 256 : i32
    %mul3A_6 = arith.muli %arg0, %mul3A : i32
    %get3A_7 = arith.constant 0 : index
    %get3A_8 = arith.index_cast %mul3A_6 : i32 to index
    %get3A_9 = vector.load %arg3[%get3A_7, %get3A_8] : memref<5x16384xf32, #tpu.memory_space<vmem>>, vector<3x256xf32>
    %get3A_10 = arith.constant 128 : index
    %get3A_11 = arith.constant 0 : index
    %get3A_12 = vector.load %arg5[%get3A_10, %get3A_11] : memref<131x128xf32, #tpu.memory_space<vmem>>, vector<3x128xf32>
    %dot_general3A_13 = arith.constant dense<0.000000e+00> : vector<256x128xf32>
    %dot_general3A_14 = tpu.matmul %get3A_9, %get3A_12, %dot_general3A_13 {dimension_numbers = #tpu.dot_dimension_numbers<[0], [0], [1], [1], [0, 1, 1, 1], [], []>, transpose_lhs_hint = false} : vector<3x256xf32>, vector<3x128xf32>, vector<256x128xf32> -> vector<256x128xf32>
    %add3A = arith.addf %dot_general3A_5, %dot_general3A_14 : vector<256x128xf32>
    %get3A_15 = arith.constant 0 : index
    %get3A_16 = arith.constant 0 : index
    %get3A_17 = vector.load %arg6[%get3A_15, %get3A_16] : memref<1x128xf32, #tpu.memory_space<vmem>>, vector<1x128xf32>
    %add3A_18 = vector.broadcast %get3A_17 : vector<1x128xf32> to vector<256x128xf32>
    %add3A_19 = arith.addf %add3A, %add3A_18 : vector<256x128xf32>
    %swap3A = arith.constant 0 : index
    %swap3A_20 = arith.constant 0 : index
    %swap3A_21 = vector.load %arg7[%swap3A, %swap3A_20] : memref<256x128xf32, #tpu.memory_space<vmem>>, vector<256x128xf32>
    tpu.vector_store %arg7[%swap3A, %swap3A_20], %add3A_19 {strides = array<i32>} : memref<256x128xf32, #tpu.memory_space<vmem>>, vector<256x128xf32>,
    %get3A_22 = arith.index_cast %arg0 : i32 to index
    %get3A_23 = arith.constant 0 : index
    %get3A_24 = memref.load %arg1[%get3A_22, %get3A_23] : memref<64x2xi32, #tpu.memory_space<smem>>
    %get3A_25 = arith.index_cast %arg0 : i32 to index
    %get3A_26 = arith.constant 1 : index
    %get3A_27 = memref.load %arg1[%get3A_25, %get3A_26] : memref<64x2xi32, #tpu.memory_space<smem>>
    %jit3A = arith.constant 512 : i32
    %div3A = arith.divsi %get3A_24, %jit3A : i32
    %sign3A = arith.constant 0 : i32
    %sign3A_28 = arith.cmpi sgt, %get3A_24, %sign3A : i32
    %sign3A_29 = arith.extui %sign3A_28 : i1 to i32
    %sign3A_30 = arith.constant 0 : i32
    %sign3A_31 = arith.cmpi slt, %get3A_24, %sign3A_30 : i32
    %sign3A_32 = arith.extui %sign3A_31 : i1 to i32
    %sign3A_33 = arith.subi %sign3A_29, %sign3A_32 : i32
    %sign3A_34 = arith.constant 0 : i32
    %sign3A_35 = arith.cmpi sgt, %jit3A, %sign3A_34 : i32
    %sign3A_36 = arith.extui %sign3A_35 : i1 to i32
    %sign3A_37 = arith.constant 0 : i32
    %sign3A_38 = arith.cmpi slt, %jit3A, %sign3A_37 : i32
    %sign3A_39 = arith.extui %sign3A_38 : i1 to i32
    %sign3A_40 = arith.subi %sign3A_36, %sign3A_39 : i32
    %ne3A = arith.cmpi ne, %sign3A_33, %sign3A_40 : i32
    %rem3A = arith.remsi %get3A_24, %jit3A : i32
    %ne3A_41 = arith.constant 0 : i32
    %ne3A_42 = arith.cmpi ne, %rem3A, %ne3A_41 : i32
    %and3A = arith.andi %ne3A, %ne3A_42 : i1
    %sub3A = arith.constant 1 : i32
    %sub3A_43 = arith.subi %div3A, %sub3A : i32
    %select_n3A = arith.select %and3A, %sub3A_43, %div3A : i32
    %add3A_44 = arith.constant 512 : i32
    %add3A_45 = arith.addi %get3A_27, %add3A_44 : i32
    %sub3A_46 = arith.constant 1 : i32
    %sub3A_47 = arith.subi %add3A_45, %sub3A_46 : i32
    %jit3A_48 = arith.constant 512 : i32
    %div3A_49 = arith.divsi %sub3A_47, %jit3A_48 : i32
    %sign3A_50 = arith.constant 0 : i32
    %sign3A_51 = arith.cmpi sgt, %sub3A_47, %sign3A_50 : i32
    %sign3A_52 = arith.extui %sign3A_51 : i1 to i32
    %sign3A_53 = arith.constant 0 : i32
    %sign3A_54 = arith.cmpi slt, %sub3A_47, %sign3A_53 : i32
    %sign3A_55 = arith.extui %sign3A_54 : i1 to i32
    %sign3A_56 = arith.subi %sign3A_52, %sign3A_55 : i32
    %sign3A_57 = arith.constant 0 : i32
    %sign3A_58 = arith.cmpi sgt, %jit3A_48, %sign3A_57 : i32
    %sign3A_59 = arith.extui %sign3A_58 : i1 to i32
    %sign3A_60 = arith.constant 0 : i32
    %sign3A_61 = arith.cmpi slt, %jit3A_48, %sign3A_60 : i32
    %sign3A_62 = arith.extui %sign3A_61 : i1 to i32
    %sign3A_63 = arith.subi %sign3A_59, %sign3A_62 : i32
    %ne3A_64 = arith.cmpi ne, %sign3A_56, %sign3A_63 : i32
    %rem3A_65 = arith.remsi %sub3A_47, %jit3A_48 : i32
    %ne3A_66 = arith.constant 0 : i32
    %ne3A_67 = arith.cmpi ne, %rem3A_65, %ne3A_66 : i32
    %and3A_68 = arith.andi %ne3A_64, %ne3A_67 : i1
    %sub3A_69 = arith.constant 1 : i32
    %sub3A_70 = arith.subi %div3A_49, %sub3A_69 : i32
    %select_n3A_71 = arith.select %and3A_68, %sub3A_70, %div3A_49 : i32
    %get3A_72 = arith.constant 0 : index
    %get3A_73 = arith.constant 0 : index
    %get3A_74 = vector.load %arg2[%get3A_72, %get3A_73] : memref<4x256xf32, #tpu.memory_space<vmem>>, vector<4x256xf32>
    %slice3A = vector.extract_strided_slice %get3A_74 {offsets = [0, 0], sizes = [1, 256], strides = [1, 1]} : vector<4x256xf32> to vector<1x256xf32>
    %mul3A_75 = arith.constant -2.000000e+00 : f32
    %mul3A_76 = vector.broadcast %mul3A_75 : f32 to vector<1x256xf32>
    %mul3A_77 = arith.mulf %mul3A_76, %slice3A : vector<1x256xf32>
    %transpose3A = tpu.transpose %mul3A_77, [1, 0] : vector<1x256xf32> -> vector<256x1xf32>
    %slice3A_78 = vector.extract_strided_slice %get3A_74 {offsets = [1, 0], sizes = [1, 256], strides = [1, 1]} : vector<4x256xf32> to vector<1x256xf32>
    %mul3A_79 = arith.constant -2.000000e+00 : f32
    %mul3A_80 = vector.broadcast %mul3A_79 : f32 to vector<1x256xf32>
    %mul3A_81 = arith.mulf %mul3A_80, %slice3A_78 : vector<1x256xf32>
    %transpose3A_82 = tpu.transpose %mul3A_81, [1, 0] : vector<1x256xf32> -> vector<256x1xf32>
    %slice3A_83 = vector.extract_strided_slice %get3A_74 {offsets = [2, 0], sizes = [1, 256], strides = [1, 1]} : vector<4x256xf32> to vector<1x256xf32>
    %mul3A_84 = arith.constant -2.000000e+00 : f32
    %mul3A_85 = vector.broadcast %mul3A_84 : f32 to vector<1x256xf32>
    %mul3A_86 = arith.mulf %mul3A_85, %slice3A_83 : vector<1x256xf32>
    %transpose3A_87 = tpu.transpose %mul3A_86, [1, 0] : vector<1x256xf32> -> vector<256x1xf32>
    %slice3A_88 = vector.extract_strided_slice %get3A_74 {offsets = [3, 0], sizes = [1, 256], strides = [1, 1]} : vector<4x256xf32> to vector<1x256xf32>
    %transpose3A_89 = tpu.transpose %slice3A_88, [1, 0] : vector<1x256xf32> -> vector<256x1xf32>
    %iota3A = tpu.iota {dimensions = array<i32: 1>} : vector<256x512xi32>
    %convert_element_type3A = arith.sitofp %iota3A : vector<256x512xi32> to vector<256x512xf32>
    %broadcast_in_dim3A = arith.constant 0x7F800000 : f32
    %broadcast_in_dim3A_90 = vector.broadcast %broadcast_in_dim3A : f32 to vector<256x1xf32>
    %broadcast_in_dim3A_91 = arith.constant 0.000000e+00 : f32
    %broadcast_in_dim3A_92 = vector.broadcast %broadcast_in_dim3A_91 : f32 to vector<256x1xf32>
    %broadcast_in_dim3A_93 = arith.constant 0.000000e+00 : f32
    %broadcast_in_dim3A_94 = vector.broadcast %broadcast_in_dim3A_93 : f32 to vector<256x1xf32>
    %sub3A_95 = arith.subi %select_n3A_71, %select_n3A : i32
    %add3A_96 = arith.constant 2 : i32
    %add3A_97 = arith.addi %sub3A_95, %add3A_96 : i32
    %jit3A_98 = arith.constant 3 : i32
    %div3A_99 = arith.divsi %add3A_97, %jit3A_98 : i32
    %sign3A_100 = arith.constant 0 : i32
    %sign3A_101 = arith.cmpi sgt, %add3A_97, %sign3A_100 : i32
    %sign3A_102 = arith.extui %sign3A_101 : i1 to i32
    %sign3A_103 = arith.constant 0 : i32
    %sign3A_104 = arith.cmpi slt, %add3A_97, %sign3A_103 : i32
    %sign3A_105 = arith.extui %sign3A_104 : i1 to i32
    %sign3A_106 = arith.subi %sign3A_102, %sign3A_105 : i32
    %sign3A_107 = arith.constant 0 : i32
    %sign3A_108 = arith.cmpi sgt, %jit3A_98, %sign3A_107 : i32
    %sign3A_109 = arith.extui %sign3A_108 : i1 to i32
    %sign3A_110 = arith.constant 0 : i32
    %sign3A_111 = arith.cmpi slt, %jit3A_98, %sign3A_110 : i32
    %sign3A_112 = arith.extui %sign3A_111 : i1 to i32
    %sign3A_113 = arith.subi %sign3A_109, %sign3A_112 : i32
    %ne3A_114 = arith.cmpi ne, %sign3A_106, %sign3A_113 : i32
    %rem3A_115 = arith.remsi %add3A_97, %jit3A_98 : i32
    %ne3A_116 = arith.constant 0 : i32
    %ne3A_117 = arith.cmpi ne, %rem3A_115, %ne3A_116 : i32
    %and3A_118 = arith.andi %ne3A_114, %ne3A_117 : i1
    %sub3A_119 = arith.constant 1 : i32
    %sub3A_120 = arith.subi %div3A_99, %sub3A_119 : i32
    %select_n3A_121 = arith.select %and3A_118, %sub3A_120, %div3A_99 : i32
    %while3A = arith.constant 0x7F800000 : f32
    %while3A_122 = arith.constant 31 : i32
    %while3A_123 = arith.constant 0 : i32
    %while3A_124 = arith.subi %select_n3A_121, %while3A_123 : i32
    %while3A_125 = arith.addi %while3A_123, %while3A_124 : i32
    %while3A_126 = arith.constant 1 : i32
    %while3A_127 = arith.divsi %while3A_124, %while3A_126 : i32
    %while3A_128 = arith.muli %while3A_127, %while3A_126 : i32
    %while3A_129 = arith.addi %while3A_123, %while3A_128 : i32
    %while3A_130 = arith.constant 1 : i32
    %while3A_131:3 = scf.for %while3A_144 = %while3A_123 to %while3A_129 step %while3A_130 iter_args(%while3A_145 = %broadcast_in_dim3A_90, %while3A_146 = %broadcast_in_dim3A_92, %while3A_147 = %broadcast_in_dim3A_94) -> (vector<256x1xf32>, vector<256x1xf32>, vector<256x1xf32>)  : i32 {
      %mul3A_148 = arith.constant 3 : i32
      %mul3A_149 = arith.muli %mul3A_148, %while3A_144 : i32
      %add3A_150 = arith.addi %select_n3A, %mul3A_149 : i32
      %mul3A_151 = arith.constant 512 : i32
      %mul3A_152 = arith.muli %add3A_150, %mul3A_151 : i32
      %get3A_153 = arith.constant 0 : index
      %get3A_154 = arith.index_cast %mul3A_152 : i32 to index
      %get3A_155 = vector.load %arg3[%get3A_153, %get3A_154] : memref<5x16384xf32, #tpu.memory_space<vmem>>, vector<1x512xf32>
      %get3A_156 = arith.constant 1 : index
      %get3A_157 = arith.index_cast %mul3A_152 : i32 to index
      %get3A_158 = vector.load %arg3[%get3A_156, %get3A_157] : memref<5x16384xf32, #tpu.memory_space<vmem>>, vector<1x512xf32>
      %get3A_159 = arith.constant 2 : index
      %get3A_160 = arith.index_cast %mul3A_152 : i32 to index
      %get3A_161 = vector.load %arg3[%get3A_159, %get3A_160] : memref<5x16384xf32, #tpu.memory_space<vmem>>, vector<1x512xf32>
      %get3A_162 = arith.constant 3 : index
      %get3A_163 = arith.index_cast %mul3A_152 : i32 to index
      %get3A_164 = vector.load %arg3[%get3A_162, %get3A_163] : memref<5x16384xf32, #tpu.memory_space<vmem>>, vector<1x512xf32>
      %get3A_165 = arith.constant 4 : index
      %get3A_166 = arith.index_cast %mul3A_152 : i32 to index
      %get3A_167 = vector.load %arg3[%get3A_165, %get3A_166] : memref<5x16384xf32, #tpu.memory_space<vmem>>, vector<1x512xf32>
      %mul3A_168 = vector.broadcast %get3A_155 : vector<1x512xf32> to vector<256x512xf32>
      %mul3A_169 = vector.broadcast %transpose3A : vector<256x1xf32> to vector<256x512xf32>
      %mul3A_170 = arith.mulf %mul3A_168, %mul3A_169 : vector<256x512xf32>
      %add3A_171 = vector.broadcast %get3A_164 : vector<1x512xf32> to vector<256x512xf32>
      %add3A_172 = arith.addf %add3A_171, %mul3A_170 : vector<256x512xf32>
      %mul3A_173 = vector.broadcast %get3A_158 : vector<1x512xf32> to vector<256x512xf32>
      %mul3A_174 = vector.broadcast %transpose3A_82 : vector<256x1xf32> to vector<256x512xf32>
      %mul3A_175 = arith.mulf %mul3A_173, %mul3A_174 : vector<256x512xf32>
      %add3A_176 = arith.addf %add3A_172, %mul3A_175 : vector<256x512xf32>
      %mul3A_177 = vector.broadcast %get3A_161 : vector<1x512xf32> to vector<256x512xf32>
      %mul3A_178 = vector.broadcast %transpose3A_87 : vector<256x1xf32> to vector<256x512xf32>
      %mul3A_179 = arith.mulf %mul3A_177, %mul3A_178 : vector<256x512xf32>
      %add3A_180 = arith.addf %add3A_176, %mul3A_179 : vector<256x512xf32>
      %eq3A = vector.broadcast %transpose3A_89 : vector<256x1xf32> to vector<256x512xf32>
      %eq3A_181 = vector.broadcast %get3A_167 : vector<1x512xf32> to vector<256x512xf32>
      %eq3A_182 = arith.cmpf oeq, %eq3A, %eq3A_181 : vector<256x512xf32>
      %broadcast_in_dim3A_183 = vector.broadcast %while3A : f32 to vector<256x512xf32>
      %select_n3A_184 = arith.select %eq3A_182, %add3A_180, %broadcast_in_dim3A_183 : vector<256x512xi1>, vector<256x512xf32>
      %reduce_min3A = arith.constant dense<0x7F800000> : vector<256xf32>
      %reduce_min3A_185 = vector.multi_reduction <minimumf>, %select_n3A_184, %reduce_min3A [1] : vector<256x512xf32> to vector<256xf32>
      %broadcast_in_dim3A_186 = vector.shape_cast %reduce_min3A_185 : vector<256xf32> to vector<256x1xf32>
      %eq3A_187 = vector.broadcast %broadcast_in_dim3A_186 : vector<256x1xf32> to vector<256x512xf32>
      %eq3A_188 = arith.cmpf oeq, %select_n3A_184, %eq3A_187 : vector<256x512xf32>
      %jit3A_189 = arith.constant 1.000000e+09 : f32
      %broadcast_in_dim3A_190 = vector.broadcast %jit3A_189 : f32 to vector<256x512xf32>
      %select_n3A_191 = arith.select %eq3A_188, %convert_element_type3A, %broadcast_in_dim3A_190 : vector<256x512xi1>, vector<256x512xf32>
      %reduce_min3A_192 = arith.constant dense<0x7F800000> : vector<256xf32>
      %reduce_min3A_193 = vector.multi_reduction <minimumf>, %select_n3A_191, %reduce_min3A_192 [1] : vector<256x512xf32> to vector<256xf32>
      %broadcast_in_dim3A_194 = vector.shape_cast %reduce_min3A_193 : vector<256xf32> to vector<256x1xf32>
      %lt3A = arith.cmpf olt, %broadcast_in_dim3A_186, %while3A_145 : vector<256x1xf32>
      %and3A_195 = arith.constant true
      %and3A_196 = vector.broadcast %and3A_195 : i1 to vector<256x1xi1>
      %and3A_197 = arith.andi %lt3A, %and3A_196 : vector<256x1xi1>
      %convert_element_type3A_198 = arith.sitofp %add3A_150 : i32 to f32
      %broadcast_in_dim3A_199 = vector.broadcast %convert_element_type3A_198 : f32 to vector<256x1xf32>
      %select_n3A_200 = arith.select %and3A_197, %broadcast_in_dim3A_186, %while3A_145 : vector<256x1xi1>, vector<256x1xf32>
      %select_n3A_201 = arith.select %and3A_197, %broadcast_in_dim3A_194, %while3A_146 : vector<256x1xi1>, vector<256x1xf32>
      %select_n3A_202 = arith.select %and3A_197, %broadcast_in_dim3A_199, %while3A_147 : vector<256x1xi1>, vector<256x1xf32>
      %add3A_203 = arith.constant 1 : i32
      %add3A_204 = arith.addi %add3A_150, %add3A_203 : i32
      %min3A = arith.minsi %add3A_204, %while3A_122 : i32
      %add3A_205 = arith.constant 1 : i32
      %add3A_206 = arith.addi %add3A_150, %add3A_205 : i32
      %lt3A_207 = arith.cmpi slt, %add3A_206, %select_n3A_71 : i32
      %mul3A_208 = arith.constant 512 : i32
      %mul3A_209 = arith.muli %min3A, %mul3A_208 : i32
      %get3A_210 = arith.constant 0 : index
      %get3A_211 = arith.index_cast %mul3A_209 : i32 to index
      %get3A_212 = vector.load %arg3[%get3A_210, %get3A_211] : memref<5x16384xf32, #tpu.memory_space<vmem>>, vector<1x512xf32>
      %get3A_213 = arith.constant 1 : index
      %get3A_214 = arith.index_cast %mul3A_209 : i32 to index
      %get3A_215 = vector.load %arg3[%get3A_213, %get3A_214] : memref<5x16384xf32, #tpu.memory_space<vmem>>, vector<1x512xf32>
      %get3A_216 = arith.constant 2 : index
      %get3A_217 = arith.index_cast %mul3A_209 : i32 to index
      %get3A_218 = vector.load %arg3[%get3A_216, %get3A_217] : memref<5x16384xf32, #tpu.memory_space<vmem>>, vector<1x512xf32>
      %get3A_219 = arith.constant 3 : index
      %get3A_220 = arith.index_cast %mul3A_209 : i32 to index
      %get3A_221 = vector.load %arg3[%get3A_219, %get3A_220] : memref<5x16384xf32, #tpu.memory_space<vmem>>, vector<1x512xf32>
      %get3A_222 = arith.constant 4 : index
      %get3A_223 = arith.index_cast %mul3A_209 : i32 to index
      %get3A_224 = vector.load %arg3[%get3A_222, %get3A_223] : memref<5x16384xf32, #tpu.memory_space<vmem>>, vector<1x512xf32>
      %mul3A_225 = vector.broadcast %get3A_212 : vector<1x512xf32> to vector<256x512xf32>
      %mul3A_226 = vector.broadcast %transpose3A : vector<256x1xf32> to vector<256x512xf32>
      %mul3A_227 = arith.mulf %mul3A_225, %mul3A_226 : vector<256x512xf32>
      %add3A_228 = vector.broadcast %get3A_221 : vector<1x512xf32> to vector<256x512xf32>
      %add3A_229 = arith.addf %add3A_228, %mul3A_227 : vector<256x512xf32>
      %mul3A_230 = vector.broadcast %get3A_215 : vector<1x512xf32> to vector<256x512xf32>
      %mul3A_231 = vector.broadcast %transpose3A_82 : vector<256x1xf32> to vector<256x512xf32>
      %mul3A_232 = arith.mulf %mul3A_230, %mul3A_231 : vector<256x512xf32>
      %add3A_233 = arith.addf %add3A_229, %mul3A_232 : vector<256x512xf32>
      %mul3A_234 = vector.broadcast %get3A_218 : vector<1x512xf32> to vector<256x512xf32>
      %mul3A_235 = vector.broadcast %transpose3A_87 : vector<256x1xf32> to vector<256x512xf32>
      %mul3A_236 = arith.mulf %mul3A_234, %mul3A_235 : vector<256x512xf32>
      %add3A_237 = arith.addf %add3A_233, %mul3A_236 : vector<256x512xf32>
      %eq3A_238 = vector.broadcast %transpose3A_89 : vector<256x1xf32> to vector<256x512xf32>
      %eq3A_239 = vector.broadcast %get3A_224 : vector<1x512xf32> to vector<256x512xf32>
      %eq3A_240 = arith.cmpf oeq, %eq3A_238, %eq3A_239 : vector<256x512xf32>
      %broadcast_in_dim3A_241 = vector.broadcast %while3A : f32 to vector<256x512xf32>
      %select_n3A_242 = arith.select %eq3A_240, %add3A_237, %broadcast_in_dim3A_241 : vector<256x512xi1>, vector<256x512xf32>
      %reduce_min3A_243 = arith.constant dense<0x7F800000> : vector<256xf32>
      %reduce_min3A_244 = vector.multi_reduction <minimumf>, %select_n3A_242, %reduce_min3A_243 [1] : vector<256x512xf32> to vector<256xf32>
      %broadcast_in_dim3A_245 = vector.shape_cast %reduce_min3A_244 : vector<256xf32> to vector<256x1xf32>
      %eq3A_246 = vector.broadcast %broadcast_in_dim3A_245 : vector<256x1xf32> to vector<256x512xf32>
      %eq3A_247 = arith.cmpf oeq, %select_n3A_242, %eq3A_246 : vector<256x512xf32>
      %jit3A_248 = arith.constant 1.000000e+09 : f32
      %broadcast_in_dim3A_249 = vector.broadcast %jit3A_248 : f32 to vector<256x512xf32>
      %select_n3A_250 = arith.select %eq3A_247, %convert_element_type3A, %broadcast_in_dim3A_249 : vector<256x512xi1>, vector<256x512xf32>
      %reduce_min3A_251 = arith.constant dense<0x7F800000> : vector<256xf32>
      %reduce_min3A_252 = vector.multi_reduction <minimumf>, %select_n3A_250, %reduce_min3A_251 [1] : vector<256x512xf32> to vector<256xf32>
      %broadcast_in_dim3A_253 = vector.shape_cast %reduce_min3A_252 : vector<256xf32> to vector<256x1xf32>
      %lt3A_254 = arith.cmpf olt, %broadcast_in_dim3A_245, %select_n3A_200 : vector<256x1xf32>
      %and3A_255 = vector.broadcast %lt3A_207 : i1 to vector<256x1xi1>
      %and3A_256 = arith.andi %lt3A_254, %and3A_255 : vector<256x1xi1>
      %convert_element_type3A_257 = arith.sitofp %min3A : i32 to f32
      %broadcast_in_dim3A_258 = vector.broadcast %convert_element_type3A_257 : f32 to vector<256x1xf32>
      %select_n3A_259 = arith.select %and3A_256, %broadcast_in_dim3A_245, %select_n3A_200 : vector<256x1xi1>, vector<256x1xf32>
      %select_n3A_260 = arith.select %and3A_256, %broadcast_in_dim3A_253, %select_n3A_201 : vector<256x1xi1>, vector<256x1xf32>
      %select_n3A_261 = arith.select %and3A_256, %broadcast_in_dim3A_258, %select_n3A_202 : vector<256x1xi1>, vector<256x1xf32>
      %add3A_262 = arith.constant 2 : i32
      %add3A_263 = arith.addi %add3A_150, %add3A_262 : i32
      %min3A_264 = arith.minsi %add3A_263, %while3A_122 : i32
      %add3A_265 = arith.constant 2 : i32
      %add3A_266 = arith.addi %add3A_150, %add3A_265 : i32
      %lt3A_267 = arith.cmpi slt, %add3A_266, %select_n3A_71 : i32
      %mul3A_268 = arith.constant 512 : i32
      %mul3A_269 = arith.muli %min3A_264, %mul3A_268 : i32
      %get3A_270 = arith.constant 0 : index
      %get3A_271 = arith.index_cast %mul3A_269 : i32 to index
      %get3A_272 = vector.load %arg3[%get3A_270, %get3A_271] : memref<5x16384xf32, #tpu.memory_space<vmem>>, vector<1x512xf32>
      %get3A_273 = arith.constant 1 : index
      %get3A_274 = arith.index_cast %mul3A_269 : i32 to index
      %get3A_275 = vector.load %arg3[%get3A_273, %get3A_274] : memref<5x16384xf32, #tpu.memory_space<vmem>>, vector<1x512xf32>
      %get3A_276 = arith.constant 2 : index
      %get3A_277 = arith.index_cast %mul3A_269 : i32 to index
      %get3A_278 = vector.load %arg3[%get3A_276, %get3A_277] : memref<5x16384xf32, #tpu.memory_space<vmem>>, vector<1x512xf32>
      %get3A_279 = arith.constant 3 : index
      %get3A_280 = arith.index_cast %mul3A_269 : i32 to index
      %get3A_281 = vector.load %arg3[%get3A_279, %get3A_280] : memref<5x16384xf32, #tpu.memory_space<vmem>>, vector<1x512xf32>
      %get3A_282 = arith.constant 4 : index
      %get3A_283 = arith.index_cast %mul3A_269 : i32 to index
      %get3A_284 = vector.load %arg3[%get3A_282, %get3A_283] : memref<5x16384xf32, #tpu.memory_space<vmem>>, vector<1x512xf32>
      %mul3A_285 = vector.broadcast %get3A_272 : vector<1x512xf32> to vector<256x512xf32>
      %mul3A_286 = vector.broadcast %transpose3A : vector<256x1xf32> to vector<256x512xf32>
      %mul3A_287 = arith.mulf %mul3A_285, %mul3A_286 : vector<256x512xf32>
      %add3A_288 = vector.broadcast %get3A_281 : vector<1x512xf32> to vector<256x512xf32>
      %add3A_289 = arith.addf %add3A_288, %mul3A_287 : vector<256x512xf32>
      %mul3A_290 = vector.broadcast %get3A_275 : vector<1x512xf32> to vector<256x512xf32>
      %mul3A_291 = vector.broadcast %transpose3A_82 : vector<256x1xf32> to vector<256x512xf32>
      %mul3A_292 = arith.mulf %mul3A_290, %mul3A_291 : vector<256x512xf32>
      %add3A_293 = arith.addf %add3A_289, %mul3A_292 : vector<256x512xf32>
      %mul3A_294 = vector.broadcast %get3A_278 : vector<1x512xf32> to vector<256x512xf32>
      %mul3A_295 = vector.broadcast %transpose3A_87 : vector<256x1xf32> to vector<256x512xf32>
      %mul3A_296 = arith.mulf %mul3A_294, %mul3A_295 : vector<256x512xf32>
      %add3A_297 = arith.addf %add3A_293, %mul3A_296 : vector<256x512xf32>
      %eq3A_298 = vector.broadcast %transpose3A_89 : vector<256x1xf32> to vector<256x512xf32>
      %eq3A_299 = vector.broadcast %get3A_284 : vector<1x512xf32> to vector<256x512xf32>
      %eq3A_300 = arith.cmpf oeq, %eq3A_298, %eq3A_299 : vector<256x512xf32>
      %broadcast_in_dim3A_301 = vector.broadcast %while3A : f32 to vector<256x512xf32>
      %select_n3A_302 = arith.select %eq3A_300, %add3A_297, %broadcast_in_dim3A_301 : vector<256x512xi1>, vector<256x512xf32>
      %reduce_min3A_303 = arith.constant dense<0x7F800000> : vector<256xf32>
      %reduce_min3A_304 = vector.multi_reduction <minimumf>, %select_n3A_302, %reduce_min3A_303 [1] : vector<256x512xf32> to vector<256xf32>
      %broadcast_in_dim3A_305 = vector.shape_cast %reduce_min3A_304 : vector<256xf32> to vector<256x1xf32>
      %eq3A_306 = vector.broadcast %broadcast_in_dim3A_305 : vector<256x1xf32> to vector<256x512xf32>
      %eq3A_307 = arith.cmpf oeq, %select_n3A_302, %eq3A_306 : vector<256x512xf32>
      %jit3A_308 = arith.constant 1.000000e+09 : f32
      %broadcast_in_dim3A_309 = vector.broadcast %jit3A_308 : f32 to vector<256x512xf32>
      %select_n3A_310 = arith.select %eq3A_307, %convert_element_type3A, %broadcast_in_dim3A_309 : vector<256x512xi1>, vector<256x512xf32>
      %reduce_min3A_311 = arith.constant dense<0x7F800000> : vector<256xf32>
      %reduce_min3A_312 = vector.multi_reduction <minimumf>, %select_n3A_310, %reduce_min3A_311 [1] : vector<256x512xf32> to vector<256xf32>
      %broadcast_in_dim3A_313 = vector.shape_cast %reduce_min3A_312 : vector<256xf32> to vector<256x1xf32>
      %lt3A_314 = arith.cmpf olt, %broadcast_in_dim3A_305, %select_n3A_259 : vector<256x1xf32>
      %and3A_315 = vector.broadcast %lt3A_267 : i1 to vector<256x1xi1>
      %and3A_316 = arith.andi %lt3A_314, %and3A_315 : vector<256x1xi1>
      %convert_element_type3A_317 = arith.sitofp %min3A_264 : i32 to f32
      %broadcast_in_dim3A_318 = vector.broadcast %convert_element_type3A_317 : f32 to vector<256x1xf32>
      %select_n3A_319 = arith.select %and3A_316, %broadcast_in_dim3A_305, %select_n3A_259 : vector<256x1xi1>, vector<256x1xf32>
      %select_n3A_320 = arith.select %and3A_316, %broadcast_in_dim3A_313, %select_n3A_260 : vector<256x1xi1>, vector<256x1xf32>
      %select_n3A_321 = arith.select %and3A_316, %broadcast_in_dim3A_318, %select_n3A_261 : vector<256x1xi1>, vector<256x1xf32>
      scf.yield %select_n3A_319, %select_n3A_320, %select_n3A_321 : vector<256x1xf32>, vector<256x1xf32>, vector<256x1xf32>
    }
    %while3A_132 = arith.constant 1 : i32
    %while3A_133:3 = scf.for %while3A_144 = %while3A_129 to %while3A_125 step %while3A_132 iter_args(%while3A_145 = %while3A_131#0, %while3A_146 = %while3A_131#1, %while3A_147 = %while3A_131#2) -> (vector<256x1xf32>, vector<256x1xf32>, vector<256x1xf32>)  : i32 {
      %mul3A_148 = arith.constant 3 : i32
      %mul3A_149 = arith.muli %mul3A_148, %while3A_144 : i32
      %add3A_150 = arith.addi %select_n3A, %mul3A_149 : i32
      %mul3A_151 = arith.constant 512 : i32
      %mul3A_152 = arith.muli %add3A_150, %mul3A_151 : i32
      %get3A_153 = arith.constant 0 : index
      %get3A_154 = arith.index_cast %mul3A_152 : i32 to index
      %get3A_155 = vector.load %arg3[%get3A_153, %get3A_154] : memref<5x16384xf32, #tpu.memory_space<vmem>>, vector<1x512xf32>
      %get3A_156 = arith.constant 1 : index
      %get3A_157 = arith.index_cast %mul3A_152 : i32 to index
      %get3A_158 = vector.load %arg3[%get3A_156, %get3A_157] : memref<5x16384xf32, #tpu.memory_space<vmem>>, vector<1x512xf32>
      %get3A_159 = arith.constant 2 : index
      %get3A_160 = arith.index_cast %mul3A_152 : i32 to index
      %get3A_161 = vector.load %arg3[%get3A_159, %get3A_160] : memref<5x16384xf32, #tpu.memory_space<vmem>>, vector<1x512xf32>
      %get3A_162 = arith.constant 3 : index
      %get3A_163 = arith.index_cast %mul3A_152 : i32 to index
      %get3A_164 = vector.load %arg3[%get3A_162, %get3A_163] : memref<5x16384xf32, #tpu.memory_space<vmem>>, vector<1x512xf32>
      %get3A_165 = arith.constant 4 : index
      %get3A_166 = arith.index_cast %mul3A_152 : i32 to index
      %get3A_167 = vector.load %arg3[%get3A_165, %get3A_166] : memref<5x16384xf32, #tpu.memory_space<vmem>>, vector<1x512xf32>
      %mul3A_168 = vector.broadcast %get3A_155 : vector<1x512xf32> to vector<256x512xf32>
      %mul3A_169 = vector.broadcast %transpose3A : vector<256x1xf32> to vector<256x512xf32>
      %mul3A_170 = arith.mulf %mul3A_168, %mul3A_169 : vector<256x512xf32>
      %add3A_171 = vector.broadcast %get3A_164 : vector<1x512xf32> to vector<256x512xf32>
      %add3A_172 = arith.addf %add3A_171, %mul3A_170 : vector<256x512xf32>
      %mul3A_173 = vector.broadcast %get3A_158 : vector<1x512xf32> to vector<256x512xf32>
      %mul3A_174 = vector.broadcast %transpose3A_82 : vector<256x1xf32> to vector<256x512xf32>
      %mul3A_175 = arith.mulf %mul3A_173, %mul3A_174 : vector<256x512xf32>
      %add3A_176 = arith.addf %add3A_172, %mul3A_175 : vector<256x512xf32>
      %mul3A_177 = vector.broadcast %get3A_161 : vector<1x512xf32> to vector<256x512xf32>
      %mul3A_178 = vector.broadcast %transpose3A_87 : vector<256x1xf32> to vector<256x512xf32>
      %mul3A_179 = arith.mulf %mul3A_177, %mul3A_178 : vector<256x512xf32>
      %add3A_180 = arith.addf %add3A_176, %mul3A_179 : vector<256x512xf32>
      %eq3A = vector.broadcast %transpose3A_89 : vector<256x1xf32> to vector<256x512xf32>
      %eq3A_181 = vector.broadcast %get3A_167 : vector<1x512xf32> to vector<256x512xf32>
      %eq3A_182 = arith.cmpf oeq, %eq3A, %eq3A_181 : vector<256x512xf32>
      %broadcast_in_dim3A_183 = vector.broadcast %while3A : f32 to vector<256x512xf32>
      %select_n3A_184 = arith.select %eq3A_182, %add3A_180, %broadcast_in_dim3A_183 : vector<256x512xi1>, vector<256x512xf32>
      %reduce_min3A = arith.constant dense<0x7F800000> : vector<256xf32>
      %reduce_min3A_185 = vector.multi_reduction <minimumf>, %select_n3A_184, %reduce_min3A [1] : vector<256x512xf32> to vector<256xf32>
      %broadcast_in_dim3A_186 = vector.shape_cast %reduce_min3A_185 : vector<256xf32> to vector<256x1xf32>
      %eq3A_187 = vector.broadcast %broadcast_in_dim3A_186 : vector<256x1xf32> to vector<256x512xf32>
      %eq3A_188 = arith.cmpf oeq, %select_n3A_184, %eq3A_187 : vector<256x512xf32>
      %jit3A_189 = arith.constant 1.000000e+09 : f32
      %broadcast_in_dim3A_190 = vector.broadcast %jit3A_189 : f32 to vector<256x512xf32>
      %select_n3A_191 = arith.select %eq3A_188, %convert_element_type3A, %broadcast_in_dim3A_190 : vector<256x512xi1>, vector<256x512xf32>
      %reduce_min3A_192 = arith.constant dense<0x7F800000> : vector<256xf32>
      %reduce_min3A_193 = vector.multi_reduction <minimumf>, %select_n3A_191, %reduce_min3A_192 [1] : vector<256x512xf32> to vector<256xf32>
      %broadcast_in_dim3A_194 = vector.shape_cast %reduce_min3A_193 : vector<256xf32> to vector<256x1xf32>
      %lt3A = arith.cmpf olt, %broadcast_in_dim3A_186, %while3A_145 : vector<256x1xf32>
      %and3A_195 = arith.constant true
      %and3A_196 = vector.broadcast %and3A_195 : i1 to vector<256x1xi1>
      %and3A_197 = arith.andi %lt3A, %and3A_196 : vector<256x1xi1>
      %convert_element_type3A_198 = arith.sitofp %add3A_150 : i32 to f32
      %broadcast_in_dim3A_199 = vector.broadcast %convert_element_type3A_198 : f32 to vector<256x1xf32>
      %select_n3A_200 = arith.select %and3A_197, %broadcast_in_dim3A_186, %while3A_145 : vector<256x1xi1>, vector<256x1xf32>
      %select_n3A_201 = arith.select %and3A_197, %broadcast_in_dim3A_194, %while3A_146 : vector<256x1xi1>, vector<256x1xf32>
      %select_n3A_202 = arith.select %and3A_197, %broadcast_in_dim3A_199, %while3A_147 : vector<256x1xi1>, vector<256x1xf32>
      %add3A_203 = arith.constant 1 : i32
      %add3A_204 = arith.addi %add3A_150, %add3A_203 : i32
      %min3A = arith.minsi %add3A_204, %while3A_122 : i32
      %add3A_205 = arith.constant 1 : i32
      %add3A_206 = arith.addi %add3A_150, %add3A_205 : i32
      %lt3A_207 = arith.cmpi slt, %add3A_206, %select_n3A_71 : i32
      %mul3A_208 = arith.constant 512 : i32
      %mul3A_209 = arith.muli %min3A, %mul3A_208 : i32
      %get3A_210 = arith.constant 0 : index
      %get3A_211 = arith.index_cast %mul3A_209 : i32 to index
      %get3A_212 = vector.load %arg3[%get3A_210, %get3A_211] : memref<5x16384xf32, #tpu.memory_space<vmem>>, vector<1x512xf32>
      %get3A_213 = arith.constant 1 : index
      %get3A_214 = arith.index_cast %mul3A_209 : i32 to index
      %get3A_215 = vector.load %arg3[%get3A_213, %get3A_214] : memref<5x16384xf32, #tpu.memory_space<vmem>>, vector<1x512xf32>
      %get3A_216 = arith.constant 2 : index
      %get3A_217 = arith.index_cast %mul3A_209 : i32 to index
      %get3A_218 = vector.load %arg3[%get3A_216, %get3A_217] : memref<5x16384xf32, #tpu.memory_space<vmem>>, vector<1x512xf32>
      %get3A_219 = arith.constant 3 : index
      %get3A_220 = arith.index_cast %mul3A_209 : i32 to index
      %get3A_221 = vector.load %arg3[%get3A_219, %get3A_220] : memref<5x16384xf32, #tpu.memory_space<vmem>>, vector<1x512xf32>
      %get3A_222 = arith.constant 4 : index
      %get3A_223 = arith.index_cast %mul3A_209 : i32 to index
      %get3A_224 = vector.load %arg3[%get3A_222, %get3A_223] : memref<5x16384xf32, #tpu.memory_space<vmem>>, vector<1x512xf32>
      %mul3A_225 = vector.broadcast %get3A_212 : vector<1x512xf32> to vector<256x512xf32>
      %mul3A_226 = vector.broadcast %transpose3A : vector<256x1xf32> to vector<256x512xf32>
      %mul3A_227 = arith.mulf %mul3A_225, %mul3A_226 : vector<256x512xf32>
      %add3A_228 = vector.broadcast %get3A_221 : vector<1x512xf32> to vector<256x512xf32>
      %add3A_229 = arith.addf %add3A_228, %mul3A_227 : vector<256x512xf32>
      %mul3A_230 = vector.broadcast %get3A_215 : vector<1x512xf32> to vector<256x512xf32>
      %mul3A_231 = vector.broadcast %transpose3A_82 : vector<256x1xf32> to vector<256x512xf32>
      %mul3A_232 = arith.mulf %mul3A_230, %mul3A_231 : vector<256x512xf32>
      %add3A_233 = arith.addf %add3A_229, %mul3A_232 : vector<256x512xf32>
      %mul3A_234 = vector.broadcast %get3A_218 : vector<1x512xf32> to vector<256x512xf32>
      %mul3A_235 = vector.broadcast %transpose3A_87 : vector<256x1xf32> to vector<256x512xf32>
      %mul3A_236 = arith.mulf %mul3A_234, %mul3A_235 : vector<256x512xf32>
      %add3A_237 = arith.addf %add3A_233, %mul3A_236 : vector<256x512xf32>
      %eq3A_238 = vector.broadcast %transpose3A_89 : vector<256x1xf32> to vector<256x512xf32>
      %eq3A_239 = vector.broadcast %get3A_224 : vector<1x512xf32> to vector<256x512xf32>
      %eq3A_240 = arith.cmpf oeq, %eq3A_238, %eq3A_239 : vector<256x512xf32>
      %broadcast_in_dim3A_241 = vector.broadcast %while3A : f32 to vector<256x512xf32>
      %select_n3A_242 = arith.select %eq3A_240, %add3A_237, %broadcast_in_dim3A_241 : vector<256x512xi1>, vector<256x512xf32>
      %reduce_min3A_243 = arith.constant dense<0x7F800000> : vector<256xf32>
      %reduce_min3A_244 = vector.multi_reduction <minimumf>, %select_n3A_242, %reduce_min3A_243 [1] : vector<256x512xf32> to vector<256xf32>
      %broadcast_in_dim3A_245 = vector.shape_cast %reduce_min3A_244 : vector<256xf32> to vector<256x1xf32>
      %eq3A_246 = vector.broadcast %broadcast_in_dim3A_245 : vector<256x1xf32> to vector<256x512xf32>
      %eq3A_247 = arith.cmpf oeq, %select_n3A_242, %eq3A_246 : vector<256x512xf32>
      %jit3A_248 = arith.constant 1.000000e+09 : f32
      %broadcast_in_dim3A_249 = vector.broadcast %jit3A_248 : f32 to vector<256x512xf32>
      %select_n3A_250 = arith.select %eq3A_247, %convert_element_type3A, %broadcast_in_dim3A_249 : vector<256x512xi1>, vector<256x512xf32>
      %reduce_min3A_251 = arith.constant dense<0x7F800000> : vector<256xf32>
      %reduce_min3A_252 = vector.multi_reduction <minimumf>, %select_n3A_250, %reduce_min3A_251 [1] : vector<256x512xf32> to vector<256xf32>
      %broadcast_in_dim3A_253 = vector.shape_cast %reduce_min3A_252 : vector<256xf32> to vector<256x1xf32>
      %lt3A_254 = arith.cmpf olt, %broadcast_in_dim3A_245, %select_n3A_200 : vector<256x1xf32>
      %and3A_255 = vector.broadcast %lt3A_207 : i1 to vector<256x1xi1>
      %and3A_256 = arith.andi %lt3A_254, %and3A_255 : vector<256x1xi1>
      %convert_element_type3A_257 = arith.sitofp %min3A : i32 to f32
      %broadcast_in_dim3A_258 = vector.broadcast %convert_element_type3A_257 : f32 to vector<256x1xf32>
      %select_n3A_259 = arith.select %and3A_256, %broadcast_in_dim3A_245, %select_n3A_200 : vector<256x1xi1>, vector<256x1xf32>
      %select_n3A_260 = arith.select %and3A_256, %broadcast_in_dim3A_253, %select_n3A_201 : vector<256x1xi1>, vector<256x1xf32>
      %select_n3A_261 = arith.select %and3A_256, %broadcast_in_dim3A_258, %select_n3A_202 : vector<256x1xi1>, vector<256x1xf32>
      %add3A_262 = arith.constant 2 : i32
      %add3A_263 = arith.addi %add3A_150, %add3A_262 : i32
      %min3A_264 = arith.minsi %add3A_263, %while3A_122 : i32
      %add3A_265 = arith.constant 2 : i32
      %add3A_266 = arith.addi %add3A_150, %add3A_265 : i32
      %lt3A_267 = arith.cmpi slt, %add3A_266, %select_n3A_71 : i32
      %mul3A_268 = arith.constant 512 : i32
      %mul3A_269 = arith.muli %min3A_264, %mul3A_268 : i32
      %get3A_270 = arith.constant 0 : index
      %get3A_271 = arith.index_cast %mul3A_269 : i32 to index
      %get3A_272 = vector.load %arg3[%get3A_270, %get3A_271] : memref<5x16384xf32, #tpu.memory_space<vmem>>, vector<1x512xf32>
      %get3A_273 = arith.constant 1 : index
      %get3A_274 = arith.index_cast %mul3A_269 : i32 to index
      %get3A_275 = vector.load %arg3[%get3A_273, %get3A_274] : memref<5x16384xf32, #tpu.memory_space<vmem>>, vector<1x512xf32>
      %get3A_276 = arith.constant 2 : index
      %get3A_277 = arith.index_cast %mul3A_269 : i32 to index
      %get3A_278 = vector.load %arg3[%get3A_276, %get3A_277] : memref<5x16384xf32, #tpu.memory_space<vmem>>, vector<1x512xf32>
      %get3A_279 = arith.constant 3 : index
      %get3A_280 = arith.index_cast %mul3A_269 : i32 to index
      %get3A_281 = vector.load %arg3[%get3A_279, %get3A_280] : memref<5x16384xf32, #tpu.memory_space<vmem>>, vector<1x512xf32>
      %get3A_282 = arith.constant 4 : index
      %get3A_283 = arith.index_cast %mul3A_269 : i32 to index
      %get3A_284 = vector.load %arg3[%get3A_282, %get3A_283] : memref<5x16384xf32, #tpu.memory_space<vmem>>, vector<1x512xf32>
      %mul3A_285 = vector.broadcast %get3A_272 : vector<1x512xf32> to vector<256x512xf32>
      %mul3A_286 = vector.broadcast %transpose3A : vector<256x1xf32> to vector<256x512xf32>
      %mul3A_287 = arith.mulf %mul3A_285, %mul3A_286 : vector<256x512xf32>
      %add3A_288 = vector.broadcast %get3A_281 : vector<1x512xf32> to vector<256x512xf32>
      %add3A_289 = arith.addf %add3A_288, %mul3A_287 : vector<256x512xf32>
      %mul3A_290 = vector.broadcast %get3A_275 : vector<1x512xf32> to vector<256x512xf32>
      %mul3A_291 = vector.broadcast %transpose3A_82 : vector<256x1xf32> to vector<256x512xf32>
      %mul3A_292 = arith.mulf %mul3A_290, %mul3A_291 : vector<256x512xf32>
      %add3A_293 = arith.addf %add3A_289, %mul3A_292 : vector<256x512xf32>
      %mul3A_294 = vector.broadcast %get3A_278 : vector<1x512xf32> to vector<256x512xf32>
      %mul3A_295 = vector.broadcast %transpose3A_87 : vector<256x1xf32> to vector<256x512xf32>
      %mul3A_296 = arith.mulf %mul3A_294, %mul3A_295 : vector<256x512xf32>
      %add3A_297 = arith.addf %add3A_293, %mul3A_296 : vector<256x512xf32>
      %eq3A_298 = vector.broadcast %transpose3A_89 : vector<256x1xf32> to vector<256x512xf32>
      %eq3A_299 = vector.broadcast %get3A_284 : vector<1x512xf32> to vector<256x512xf32>
      %eq3A_300 = arith.cmpf oeq, %eq3A_298, %eq3A_299 : vector<256x512xf32>
      %broadcast_in_dim3A_301 = vector.broadcast %while3A : f32 to vector<256x512xf32>
      %select_n3A_302 = arith.select %eq3A_300, %add3A_297, %broadcast_in_dim3A_301 : vector<256x512xi1>, vector<256x512xf32>
      %reduce_min3A_303 = arith.constant dense<0x7F800000> : vector<256xf32>
      %reduce_min3A_304 = vector.multi_reduction <minimumf>, %select_n3A_302, %reduce_min3A_303 [1] : vector<256x512xf32> to vector<256xf32>
      %broadcast_in_dim3A_305 = vector.shape_cast %reduce_min3A_304 : vector<256xf32> to vector<256x1xf32>
      %eq3A_306 = vector.broadcast %broadcast_in_dim3A_305 : vector<256x1xf32> to vector<256x512xf32>
      %eq3A_307 = arith.cmpf oeq, %select_n3A_302, %eq3A_306 : vector<256x512xf32>
      %jit3A_308 = arith.constant 1.000000e+09 : f32
      %broadcast_in_dim3A_309 = vector.broadcast %jit3A_308 : f32 to vector<256x512xf32>
      %select_n3A_310 = arith.select %eq3A_307, %convert_element_type3A, %broadcast_in_dim3A_309 : vector<256x512xi1>, vector<256x512xf32>
      %reduce_min3A_311 = arith.constant dense<0x7F800000> : vector<256xf32>
      %reduce_min3A_312 = vector.multi_reduction <minimumf>, %select_n3A_310, %reduce_min3A_311 [1] : vector<256x512xf32> to vector<256xf32>
      %broadcast_in_dim3A_313 = vector.shape_cast %reduce_min3A_312 : vector<256xf32> to vector<256x1xf32>
      %lt3A_314 = arith.cmpf olt, %broadcast_in_dim3A_305, %select_n3A_259 : vector<256x1xf32>
      %and3A_315 = vector.broadcast %lt3A_267 : i1 to vector<256x1xi1>
      %and3A_316 = arith.andi %lt3A_314, %and3A_315 : vector<256x1xi1>
      %convert_element_type3A_317 = arith.sitofp %min3A_264 : i32 to f32
      %broadcast_in_dim3A_318 = vector.broadcast %convert_element_type3A_317 : f32 to vector<256x1xf32>
      %select_n3A_319 = arith.select %and3A_316, %broadcast_in_dim3A_305, %select_n3A_259 : vector<256x1xi1>, vector<256x1xf32>
      %select_n3A_320 = arith.select %and3A_316, %broadcast_in_dim3A_313, %select_n3A_260 : vector<256x1xi1>, vector<256x1xf32>
      %select_n3A_321 = arith.select %and3A_316, %broadcast_in_dim3A_318, %select_n3A_261 : vector<256x1xi1>, vector<256x1xf32>
      scf.yield %select_n3A_319, %select_n3A_320, %select_n3A_321 : vector<256x1xf32>, vector<256x1xf32>, vector<256x1xf32>
    }
    %mul3A_134 = arith.constant 5.120000e+02 : f32
    %mul3A_135 = vector.broadcast %mul3A_134 : f32 to vector<256x1xf32>
    %mul3A_136 = arith.mulf %while3A_133#2, %mul3A_135 : vector<256x1xf32>
    %add3A_137 = arith.addf %mul3A_136, %while3A_133#1 : vector<256x1xf32>
    %convert_element_type3A_138 = arith.fptosi %add3A_137 : vector<256x1xf32> to vector<256x1xi32>
    %transpose3A_139 = tpu.transpose %convert_element_type3A_138, [1, 0] : vector<256x1xi32> -> vector<1x256xi32>
    %reshape3A = vector.shape_cast %transpose3A_139 : vector<1x256xi32> to vector<1x1x256xi32>
    %swap3A_140 = arith.constant 0 : index
    %swap3A_141 = arith.constant 0 : index
    %swap3A_142 = arith.constant 0 : index
    %swap3A_143 = vector.load %arg8[%swap3A_140, %swap3A_141, %swap3A_142] : memref<1x1x256xi32, #tpu.memory_space<vmem>>, vector<1x1x256xi32>
    tpu.vector_store %arg8[%swap3A_140, %swap3A_141, %swap3A_142], %reshape3A {strides = array<i32>} : memref<1x1x256xi32, #tpu.memory_space<vmem>>, vector<1x1x256xi32>,
    return
  }
  func.func @transform_0(%arg0: i32, %arg1: memref<64x2xi32, #tpu.memory_space<smem>>) -> (i32, i32) {
    %c0_i32 = arith.constant 0 : i32
    %c0_i32_0 = arith.constant 0 : i32
    return %c0_i32, %arg0 : i32, i32
  }
  func.func @transform_1(%arg0: i32, %arg1: memref<64x2xi32, #tpu.memory_space<smem>>) -> (i32, i32) {
    %c0_i32 = arith.constant 0 : i32
    %c0_i32_0 = arith.constant 0 : i32
    %c0_i32_1 = arith.constant 0 : i32
    return %c0_i32, %c0_i32_0 : i32, i32
  }
  func.func @transform_2(%arg0: i32, %arg1: memref<64x2xi32, #tpu.memory_space<smem>>) -> (i32, i32) {
    %c0_i32 = arith.constant 0 : i32
    %c0_i32_0 = arith.constant 0 : i32
    return %arg0, %c0_i32 : i32, i32
  }
  func.func @transform_3(%arg0: i32, %arg1: memref<64x2xi32, #tpu.memory_space<smem>>) -> (i32, i32) {
    %c0_i32 = arith.constant 0 : i32
    %c0_i32_0 = arith.constant 0 : i32
    %c0_i32_1 = arith.constant 0 : i32
    return %c0_i32, %c0_i32_0 : i32, i32
  }
  func.func @transform_4(%arg0: i32, %arg1: memref<64x2xi32, #tpu.memory_space<smem>>) -> (i32, i32) {
    %c0_i32 = arith.constant 0 : i32
    %c0_i32_0 = arith.constant 0 : i32
    %c0_i32_1 = arith.constant 0 : i32
    return %c0_i32, %c0_i32_0 : i32, i32
  }
  func.func @transform_5(%arg0: i32, %arg1: memref<64x2xi32, #tpu.memory_space<smem>>) -> (i32, i32) {
    %c0_i32 = arith.constant 0 : i32
    %c0_i32_0 = arith.constant 0 : i32
    return %arg0, %c0_i32 : i32, i32
  }
  func.func @transform_6(%arg0: i32, %arg1: memref<64x2xi32, #tpu.memory_space<smem>>) -> (i32, i32, i32) {
    %c0_i32 = arith.constant 0 : i32
    %c0_i32_0 = arith.constant 0 : i32
    %c0_i32_1 = arith.constant 0 : i32
    return %arg0, %c0_i32, %c0_i32_0 : i32, i32, i32
  }
}

module attributes {stable_mosaic.version = 14 : i64} {
  func.func @_mlp_body(%arg0: i32, %arg1: memref<2048x128xf32, #tpu.memory_space<vmem>>, %arg2: memref<4x16384xf32, #tpu.memory_space<vmem>>, %arg3: memref<131x128xf32, #tpu.memory_space<vmem>>, %arg4: memref<128x128xf32, #tpu.memory_space<vmem>>, %arg5: memref<1x128xf32, #tpu.memory_space<vmem>>, %arg6: memref<2048x128xf32, #tpu.memory_space<vmem>>) attributes {dimension_semantics = [#tpu.dimension_semantics<arbitrary>], iteration_bounds = array<i64: 8>, scalar_prefetch = 0 : i64, scratch_operands = 0 : i64, tpu.core_type = #tpu.core_type<tc>, window_params = [{transform_indices = @transform_0, window_bounds = array<i64: 2048, 128>}, {pipeline_mode = #tpu.pipeline_mode<synchronous>, transform_indices = @transform_1, window_bounds = array<i64: 4, 16384>}, {pipeline_mode = #tpu.pipeline_mode<synchronous>, transform_indices = @transform_2, window_bounds = array<i64: 131, 128>}, {pipeline_mode = #tpu.pipeline_mode<synchronous>, transform_indices = @transform_3, window_bounds = array<i64: 128, 128>}, {pipeline_mode = #tpu.pipeline_mode<synchronous>, transform_indices = @transform_4, window_bounds = array<i64: 1, 128>}, {transform_indices = @transform_5, window_bounds = array<i64: 2048, 128>}]} {
    %mul3A = arith.constant 2048 : i32
    %mul3A_0 = arith.muli %arg0, %mul3A : i32
    %get3A = arith.constant 0 : index
    %get3A_1 = arith.index_cast %mul3A_0 : i32 to index
    %get3A_2 = vector.load %arg2[%get3A, %get3A_1] : memref<4x16384xf32, #tpu.memory_space<vmem>>, vector<3x2048xf32>
    %get3A_3 = arith.constant 128 : index
    %get3A_4 = arith.constant 0 : index
    %get3A_5 = vector.load %arg3[%get3A_3, %get3A_4] : memref<131x128xf32, #tpu.memory_space<vmem>>, vector<3x128xf32>
    %dot_general3A = arith.constant dense<0.000000e+00> : vector<2048x128xf32>
    %dot_general3A_6 = tpu.matmul %get3A_2, %get3A_5, %dot_general3A {dimension_numbers = #tpu.dot_dimension_numbers<[0], [0], [1], [1], [0, 1, 1, 1], [], []>, transpose_lhs_hint = false} : vector<3x2048xf32>, vector<3x128xf32>, vector<2048x128xf32> -> vector<2048x128xf32>
    %get3A_7 = arith.constant 0 : index
    %get3A_8 = arith.constant 0 : index
    %get3A_9 = vector.load %arg1[%get3A_7, %get3A_8] : memref<2048x128xf32, #tpu.memory_space<vmem>>, vector<2048x128xf32>
    %sub3A = arith.subf %get3A_9, %dot_general3A_6 : vector<2048x128xf32>
    %max3A = arith.constant 0.000000e+00 : f32
    %max3A_10 = vector.broadcast %max3A : f32 to vector<2048x128xf32>
    %max3A_11 = arith.maximumf %sub3A, %max3A_10 : vector<2048x128xf32>
    %get3A_12 = arith.constant 0 : index
    %get3A_13 = arith.constant 0 : index
    %get3A_14 = vector.load %arg4[%get3A_12, %get3A_13] : memref<128x128xf32, #tpu.memory_space<vmem>>, vector<128x128xf32>
    %dot_general3A_15 = arith.constant dense<0.000000e+00> : vector<2048x128xf32>
    %dot_general3A_16 = tpu.matmul %max3A_11, %get3A_14, %dot_general3A_15 {dimension_numbers = #tpu.dot_dimension_numbers<[1], [0], [0], [1], [0, 0, 1, 1], [], []>, transpose_lhs_hint = false} : vector<2048x128xf32>, vector<128x128xf32>, vector<2048x128xf32> -> vector<2048x128xf32>
    %get3A_17 = arith.constant 0 : index
    %get3A_18 = arith.constant 0 : index
    %get3A_19 = vector.load %arg5[%get3A_17, %get3A_18] : memref<1x128xf32, #tpu.memory_space<vmem>>, vector<1x128xf32>
    %add3A = vector.broadcast %get3A_19 : vector<1x128xf32> to vector<2048x128xf32>
    %add3A_20 = arith.addf %dot_general3A_16, %add3A : vector<2048x128xf32>
    %max3A_21 = arith.constant 0.000000e+00 : f32
    %max3A_22 = vector.broadcast %max3A_21 : f32 to vector<2048x128xf32>
    %max3A_23 = arith.maximumf %add3A_20, %max3A_22 : vector<2048x128xf32>
    %swap3A = arith.constant 0 : index
    %swap3A_24 = arith.constant 0 : index
    %swap3A_25 = vector.load %arg6[%swap3A, %swap3A_24] : memref<2048x128xf32, #tpu.memory_space<vmem>>, vector<2048x128xf32>
    tpu.vector_store %arg6[%swap3A, %swap3A_24], %max3A_23 {strides = array<i32>} : memref<2048x128xf32, #tpu.memory_space<vmem>>, vector<2048x128xf32>,
    return
  }
  func.func @transform_0(%arg0: i32) -> (i32, i32) {
    %c0_i32 = arith.constant 0 : i32
    %c0_i32_0 = arith.constant 0 : i32
    return %arg0, %c0_i32 : i32, i32
  }
  func.func @transform_1(%arg0: i32) -> (i32, i32) {
    %c0_i32 = arith.constant 0 : i32
    %c0_i32_0 = arith.constant 0 : i32
    %c0_i32_1 = arith.constant 0 : i32
    return %c0_i32, %c0_i32_0 : i32, i32
  }
  func.func @transform_2(%arg0: i32) -> (i32, i32) {
    %c0_i32 = arith.constant 0 : i32
    %c0_i32_0 = arith.constant 0 : i32
    %c0_i32_1 = arith.constant 0 : i32
    return %c0_i32, %c0_i32_0 : i32, i32
  }
  func.func @transform_3(%arg0: i32) -> (i32, i32) {
    %c0_i32 = arith.constant 0 : i32
    %c0_i32_0 = arith.constant 0 : i32
    %c0_i32_1 = arith.constant 0 : i32
    return %c0_i32, %c0_i32_0 : i32, i32
  }
  func.func @transform_4(%arg0: i32) -> (i32, i32) {
    %c0_i32 = arith.constant 0 : i32
    %c0_i32_0 = arith.constant 0 : i32
    %c0_i32_1 = arith.constant 0 : i32
    return %c0_i32, %c0_i32_0 : i32, i32
  }
  func.func @transform_5(%arg0: i32) -> (i32, i32) {
    %c0_i32 = arith.constant 0 : i32
    %c0_i32_0 = arith.constant 0 : i32
    return %arg0, %c0_i32 : i32, i32
  }
}

</mosaic_0001>

<sc_bundles>
// kernel: kernel.5.cloned.1.call-start
scs
__scs_entry_jumppad:
0x0: {  	(pc) =	sbr.rel $0x88, $3  }
0x1: {  	(tag) =	ssettag $0x0;
	lr =	simm.s32 $0x1  }
0x2: {  	[smem:$0x3F98] =	sst lr;
	_ =	strace $0xD0000000  }
0x3: {  	_ = 	snop  }
0x4: {  	_ = 	snop  }
0x5: {  	_ = 	snop  }
0x6: {  	_ = 	snop  }
0x7: {  	_ = 	snop  }
__scs_overlays_trampoline_lowered:
0x8: {  	[smem:$0x3FA7] =	sst s0  }
0x9: {  	[smem:$0x3FA8] =	sst s1  }
0xa: {  	[smem:$0x3FA9] =	sst s2  }
0xb: {  	[smem:$0x3FAA] =	sst s3  }
0xc: {  	[smem:$0x3FAB] =	sst s4  }
0xd: {  	[smem:$0x3FAC] =	sst s5  }
0xe: {  	[smem:$0x3FAD] =	sst s6  }
0xf: {  	[smem:$0x3FAE] =	sst s7  }
0x10: {  	[smem:$0x3FAF] =	sst s8  }
0x11: {  	[smem:$0x3FB0] =	sst s9;
	s0 =	simm.s32 @!p0 $0x0  }
0x12: {  	s1 =	sld [smem:$0x3F96];
	s0 =	simm.s32 @p0 $0x1  }
0x13: {  	[smem:$0x3FB1] =	sst s0;
	s0 =	simm.s32 @!p1 $0x0  }
0x14: {  	s2 =	sld [smem:$0x3F95];
	s0 =	simm.s32 @p1 $0x1  }
0x15: {  	[smem:$0x3FB2] =	sst s0;
	s0 =	simm.s32 @!p2 $0x0  }
0x16: {  	s3 =	sld [smem:$0x3FDB];
	s0 =	simm.s32 @p2 $0x1  }
0x17: {  	s4 =	simm.s32 $0x1BF5;
	[smem:$0x3FB4] =	sst s0  }
0x18: {  	s0 =	sld [smem:$0x3F97];
	_ =	swait.ge [sflag:s4], $0x0  }
0x19: {  	s7 =	sld [smem:$0x3F98]  }
0x1a: {  	s8 =	sadd.s32 $0xFFFFE003, lr  }
0x1b: {  	s9 =	sadd.s32 $0xFFFFFEF7, lr;
	s5 =	simm.s32 $0xFFFFFFFF;
	p2 =	slt.u32 s8, $0xFFFFF086  }
0x1c: {  	p1 =	slt.u32 s9, $0xF7A;
	s5 =	simm.s32 @!p2 $0x0  }
0x1d: {  	s5 =	simm.s32 @p1 $0x1;
	p0 =	seq.s32 s7, s2  }
0x1e: {  	s7 =	smul.u32 @!p0 $0xF7A, s2;
	p2 =	seq.s32 @!p0 s5, $0x0  }
0x1f: {  	s9 =	smul.u32 $0xF7A, s1;
	s8 =	simm.s32 @!p0 $0x1BF5;
	p2 =	por !p2, p0  }
0x20: {  	[sflag:s8] =	ssyncset.s32 @!p0 $0xFFFFF086;
	s6 =	sadd.s32 @!p0 s3, s7;
	s7 =	simm.s32 @!p0 $0x108  }
0x21: {  	s3 =	sadd.s32 s3, s9;
	s6 =	sadd.s32 @!p0 $0x88, s6;
	s7 =	simm.s32 @p2 $0x1082  }
0x22: {  	[simem:s7], [sflag:s8] =	dma.local @!p0 [hbm:s6], $0xF7A  }
0x23: {  	s9 =	sor.u32 $0xD0000000, s2;
	s6 =	simm.s32 $0x108;
	_ =	swait.ge @!p0 [sflag:s8], $0x0  }
0x24: {  	s3 =	sadd.s32 $0x88, s3;
	s6 =	simm.s32 @!p1 $0x1082;
	[sflag:s4] =	ssyncset.s32 $0xFFFFF086  }
0x25: {  	[simem:s6], [sflag:s4] =	dma.local [hbm:s3], $0xF7A  }
0x26: {  	[smem:$0x3F98] =	sst s1;
	(tag) =	ssettag s2;
	_ =	strace s9  }
0x27: {  	s1 =	sld [smem:$0x3FA8]  }
0x28: {  	s2 =	sld [smem:$0x3FA9]  }
0x29: {  	s4 =	sld [smem:$0x3FAB]  }
0x2a: {  	p0 =	seq.s32 s5, $0x0;
	s5 =	sld [smem:$0x3FAC]  }
0x2b: {  	s6 =	sld [smem:$0x3FAD]  }
0x2c: {  	s7 =	sld [smem:$0x3FAE]  }
0x2d: {  	s3 =	simm.s32 $0x108;
	s8 =	sld [smem:$0x3FAF]  }
0x2e: {  	s3 =	simm.s32 @!p0 $0x1082;
	s9 =	sld [smem:$0x3FB0]  }
0x2f: {  	lr =	sadd.s32 s0, s3;
	s0 =	sld [smem:$0x3FA7]  }
0x30: {  	s3 =	sld [smem:$0x3FAA]  }
0x31: {  	[smem:$0x3FB3] =	sst s10  }
0x32: {  	s10 =	sld [smem:$0x3FB1];
	_ =	sdelay $0x3  }
0x33: {  	p0 =	seq.s32 s10, $0x1;
	s10 =	sld [smem:$0x3FB3];
	_ =	sdelay $0x3  }
0x34: {  	[smem:$0x3FB3] =	sst s10  }
0x35: {  	s10 =	sld [smem:$0x3FB2];
	_ =	sdelay $0x3  }
0x36: {  	p1 =	seq.s32 s10, $0x1;
	s10 =	sld [smem:$0x3FB3];
	_ =	sdelay $0x3  }
0x37: {  	[smem:$0x3FB3] =	sst s10  }
0x38: {  	s10 =	sld [smem:$0x3FB4]  }
0x39: {  	_ = 	snop;
	(pc) =	sbr.ind lr, $3  }
0x3a: {  	_ = 	snop  }
0x3b: {  	_ = 	snop  }
0x3c: {  	p2 =	seq.s32 s10, $0x1;
	s10 =	sld [smem:$0x3FB3]  }
0x3d: {  	_ =	shalt  }
0x3e: {  	_ =	shalt  }
0x3f: {  	_ =	shalt  }
0x40: {  	_ =	shalt  }
0x41: {  	_ =	shalt  }
0x42: {  	_ =	shalt  }
0x43: {  	_ =	shalt  }
0x44: {  	_ =	shalt  }
0x45: {  	_ =	shalt  }
0x46: {  	_ =	shalt  }
0x47: {  	_ =	shalt  }
0x48: {  	_ =	shalt  }
0x49: {  	_ =	shalt  }
0x4a: {  	_ =	shalt  }
0x4b: {  	_ =	shalt  }
0x4c: {  	_ =	shalt  }
0x4d: {  	_ =	shalt  }
0x4e: {  	_ =	shalt  }
0x4f: {  	_ =	shalt  }
0x50: {  	_ =	shalt  }
0x51: {  	_ =	shalt  }
0x52: {  	_ =	shalt  }
0x53: {  	_ =	shalt  }
0x54: {  	_ =	shalt  }
0x55: {  	_ =	shalt  }
0x56: {  	_ =	shalt  }
0x57: {  	_ =	shalt  }
0x58: {  	_ =	shalt  }
0x59: {  	_ =	shalt  }
0x5a: {  	_ =	shalt  }
0x5b: {  	_ =	shalt  }
0x5c: {  	_ =	shalt  }
0x5d: {  	_ =	shalt  }
0x5e: {  	_ =	shalt  }
0x5f: {  	_ =	shalt  }
0x60: {  	_ =	shalt  }
0x61: {  	_ =	shalt  }
0x62: {  	_ =	shalt  }
0x63: {  	_ =	shalt  }
0x64: {  	_ =	shalt  }
0x65: {  	_ =	shalt  }
0x66: {  	_ =	shalt  }
0x67: {  	_ =	shalt  }
0x68: {  	_ =	shalt  }
0x69: {  	_ =	shalt  }
0x6a: {  	_ =	shalt  }
0x6b: {  	_ =	shalt  }
0x6c: {  	_ =	shalt  }
0x6d: {  	_ =	shalt  }
0x6e: {  	_ =	shalt  }
0x6f: {  	_ =	shalt  }
0x70: {  	_ =	shalt  }
0x71: {  	_ =	shalt  }
0x72: {  	_ =	shalt  }
0x73: {  	_ =	shalt  }
0x74: {  	_ =	shalt  }
0x75: {  	_ =	shalt  }
0x76: {  	_ =	shalt  }
0x77: {  	_ =	shalt  }
0x78: {  	_ =	shalt  }
0x79: {  	_ =	shalt  }
0x7a: {  	_ =	shalt  }
0x7b: {  	_ =	shalt  }
0x7c: {  	_ =	shalt  }
0x7d: {  	_ =	shalt  }
0x7e: {  	_ =	shalt  }
0x7f: {  	_ =	shalt  }
0x80: {  	_ =	shalt  }
0x81: {  	_ =	shalt  }
0x82: {  	_ =	shalt  }
0x83: {  	_ =	shalt  }
0x84: {  	_ =	shalt  }
0x85: {  	_ =	shalt  }
0x86: {  	_ =	shalt  }
0x87: {  	_ =	shalt  }
.Lfunc_end0:
.L_simem_size_0:
called_computation_lowered:
.L_overlay_start_0:
0x88: {  	s2 =	sld [smem:$0x3FD9]  }
0x89: {  	s3 =	sld [smem:$0x3FFE];
	_ =	sdelay $0x1  }
0x8a: {  	s1 =	srdreg.scid  }
0x8b: {  	s0 =	sand.u32 $0x1, s1  }
0x8c: {  	s14 =	sshll.u32 s0, $0xA;
	s2 =	sadd.s32 s3, s2  }
0x8d: {  	s2 =	sadd.s32 s2, s14  }
0x8e: {  	[smem:$0x3FBF] =	sst s2  }
0x8f: {  	_ = 	snop  }
0x90: {  	s2 =	sld [smem:$0x3FD0];
	_ =	sdelay $0x2  }
0x91: {  	s15 =	simm.s32 $0xA;
	s4 =	simm.s32 $0x10  }
0x92: {  	[smem:s4], [sflag:s15] =	dma.local [hbm:s2], $0x1  }
0x93: {  	_ =	swait.eq [sflag:s15], $0x1  }
0x94: {  	[sflag:s15] =	ssyncset.done $0x0  }
0x95: {  	s16 =	sld [smem:$0x10];
	[sflag:s15] =	ssyncadd.s32 $0xFFFFFFFF  }
0x96: {  	s17 =	sld [smem:$0x12];
	(tm) =	ssettm $0x1  }
0x97: {  	s18 =	sld [smem:$0x3FFB];
	_ =	sdelay $0x3  }
0x98: {  	_ =	strace s18  }
0x99: {  	s4 =	sld [smem:$0x3FFC];
	_ =	sdelay $0x3  }
0x9a: {  	_ =	strace s4  }
0x9b: {  	s4 =	sld [smem:$0x3FFD];
	_ =	sdelay $0x3  }
0x9c: {  	_ =	strace s4  }
0x9d: {  	_ =	strace $0x8FFFFFFF  }
0x9e: {  	s19 =	sld [smem:$0x3FDB];
	_ =	sdelay $0x1  }
0x9f: {  	s5 =	simm.s32 $_scs_section_size  }
0xa0: {  	s6 =	simm.s32 $_size__tile_overlayer_lowered;
	s7 =	simm.s32 $_tile_overlayer_lowered  }
0xa1: {  	s22 =	simm.s32 $0x1BFF;
	s21 =	sshll.u32 s7, $0x1;
	s4 =	sadd.s32 s5, s19  }
0xa2: {  	s8 =	simm.s32 $0x0;
	s20 =	sshll.u32 s6, $0x1;
	s6 =	sadd.s32 s21, s4  }
0xa3: {  	[timem:s8], [sflag:s22] =	dma.local [hbm:s6], s20  }
0xa4: {  	_ =	swait.ge [sflag:s22], s20  }
0xa5: {  	s5 =	ssub.s32 $0x0, s20;
	[sflag:s22] =	ssyncset.done $0x0  }
0xa6: {  	[sflag:s22] =	ssyncadd.s32 s5;
	_ =	sdelay $0x1  }
0xa7: {  	s23 =	simm.s32 $0x1B8B  }
0xa8: {  	_ =	swait.ge [sflag:s23], $0x1  }
0xa9: {  	[sflag:s23] =	ssyncset.done $0x0  }
0xaa: {  	s25 =	simm.s32 $0x1B8E;
	s24 =	sld [smem:$0x3FFE];
	[sflag:s23] =	ssyncadd.s32 $0xFFFFFFFF  }
0xab: {  	s26 =	simm.s32 $execute0_lowered;
	[smem:$0x3FD2] =	sst s25  }
0xac: {  	s6 =	sshll.u32 s26, $0x1;
	_ =	strace $0x80000046;
	[dreg:$0x1] =	wrdreg $0xFFFFFFFF  }
0xad: {  	s28 =	simm.s32 $_size_execute0_lowered;
	s4 =	sadd.s32 s4, s6;
	[dreg:$0x0] =	wrdreg $0x0  }
0xae: {  	s6 =	sshll.u32 s28, $0x1;
	[dreg:$0x2] =	wrdreg s4  }
0xaf: {  	[dreg:$0x3] =	wrdreg s6  }
0xb0: {  	[dreg:$0x4] =	wrdreg $0xC0  }
0xb1: {  	_ =	task [dreg:s8], $0x5FFFF  }
0xb2: {  	[dreg:$0x1] =	wrdreg $0xFFFFFFFF  }
0xb3: {  	[dreg:$0x0] =	wrdreg $0x60  }
0xb4: {  	[dreg:$0x2] =	wrdreg s16  }
0xb5: {  	[dreg:$0x3] =	wrdreg s17  }
0xb6: {  	[dreg:$0x4] =	wrdreg s24  }
0xb7: {  	[dreg:$0x5] =	wrdreg $0x9  }
0xb8: {  	_ =	task.clear_ibuf [dreg:s8], $0x6FFFF;
	_ =	strace $0x90000046  }
0xb9: {  	s29 =	simm.s32 $0x9;
	_ =	strace $0x80000048  }
0xba: {  	_ =	swait.ge [sflag:s29], $0x1  }
0xbb: {  	[sflag:s29] =	ssyncadd.s32 $0xFFFFFFFF  }
0xbc: {  	_ =	strace $0x90000048  }
0xbd: {  	_ =	sfence  }
0xbe: {  	s30 =	sld [smem:$0x0];
	_ =	sdelay $0x2  }
0xbf: {  	s31 =	sshll.u32 s1, $0xD;
	s1 =	sshrl.u32 s1, $0x2  }
0xc0: {  	s3 =	sand.u32 $0x4000, s31;
	s1 =	sadd.s32 s1, s30  }
0xc1: {  	s0 =	sor.u32 s3, s0;
	s1 =	sshll.u32 s1, $0x11  }
0xc2: {  	s0 =	sor.u32 s1, s0  }
0xc3: {  	s0 =	sadd.s32 $0x8F2B, s0  }
0xc4: {  	[sflag:s0] =	ssyncadd.remote.s32 $0x1  }
0xc5: {  	_ =	sfence.sel $0xFFFF  }
0xc6: {  	[dreg:$0x0] =	wrdreg $0xFFFFFFFF;
	(pc) =	sbr.abs _section_cstart, $3  }
0xc7: {  	[dreg:$0x1] =	wrdreg $0xFFFFFFFF  }
0xc8: {  	_ =	task.clear_ibuf [dreg:s8], $0x2FFFF;
	_ =	strace $0x9FFFFFFF  }
0xc9: {  	(tm) =	ssettm $0x7FFFFFFF  }
tec
execute0_lowered:
.L_overlay_start_1:
0x0: {  	(tag) =	ssettag $0x1  }
0x1: {  	s1 =	rddreg [dreg:$0x0];
	s2 =	srdreg.scid  }
0x2: {  	s4 =	rddreg [dreg:$0x1];
	s0 =	stileid.u32;
	s14 =	sand.u32 $0x1, s2  }
0x3: {  	s15 =	rddreg [dreg:$0x2];
	s5 =	sshll.u32 s0, $0xA;
	s6 =	sshll.u32 s14, $0x9  }
0x4: {  	s3 =	simm.s32 $0x0;
	s2 =	rddreg [dreg:$0x3];
	s16 =	sor.u32 s6, s5  }
0x5: {  	[smem:$0x7FF] =	sst s3;
	s5 =	sshrl.u32 s16, $0x3  }
0x6: {  	_ =	strace $0x80000047;
	s5 =	sadd.s32 s4, s5;
	s4 =	simm.s32 $0x2  }
0x7: {  	[tilespmem:s3], [sflag:$0x2] =	stream.linear.gather [hbm4b:s5+s3], $0x200, $0x38;
	[tilespmem:$0x10200] =	vst v63  }
0x8: {  	_ =	swait.ge [sflag:s4], $0x200  }
0x9: {  	[sflag:s4] =	ssyncset.done $0x0  }
0xa: {  	s7 =	simm.s32 $0x200;
	s6 =	simm.s32 $0x80;
	[sflag:s4] =	ssyncadd.s32 $0xFFFFFE00  }
0xb: {  	[tilespmem:s7], [sflag:$0x1] =	stream.indirect.gather [hbm4b:s1+s6], $0x80, s3, s6, $0xb8;
	[tilespmem:$0x10200] =	vst v63  }
0xc: {  	s8 =	simm.s32 $0x4200  }
0xd: {  	[tilespmem:s8], [sflag:$0x1] =	stream.indirect.gather [hbm4b:s1+s6], $0x80, s6, s6, $0xb8;
	[tilespmem:$0x10200] =	vst v63  }
0xe: {  	s9 =	simm.s32 $0x100;
	s10 =	simm.s32 $0x8200  }
0xf: {  	[tilespmem:s10], [sflag:$0x1] =	stream.indirect.gather [hbm4b:s1+s6], $0x80, s9, s6, $0xb8;
	[tilespmem:$0x10200] =	vst v63  }
0x10: {  	s11 =	simm.s32 $0x180;
	s12 =	simm.s32 $0xC200;
	s13 =	simm.s32 $0x1  }
0x11: {  	[tilespmem:s12], [sflag:$0x1] =	stream.indirect.gather [hbm4b:s1+s6], $0x80, s11, s6, $0xb8;
	[tilespmem:$0x10200] =	vst v63  }
0x12: {  	_ =	swait.ge [sflag:s13], $0x4000  }
0x13: {  	[sflag:s13] =	ssyncset.done $0x0  }
0x14: {  	[sflag:s13] =	ssyncadd.s32 $0xFFFFC000  }
0x15: {  	_ =	swait.ge [sflag:s13], $0x4000  }
0x16: {  	[sflag:s13] =	ssyncset.done $0x0  }
0x17: {  	s14 =	ssub.s32 $0x2, s14;
	[sflag:s13] =	ssyncadd.s32 $0xFFFFC000  }
0x18: {  	s17 =	sshrl.u32 s14, $0x1;
	_ =	swait.ge [sflag:s13], $0x4000  }
0x19: {  	s17 =	ssub.s32 s14, s17;
	[sflag:s13] =	ssyncset.done $0x0  }
0x1a: {  	s31 =	smax.u32 s17, $0x1;
	[sflag:s13] =	ssyncadd.s32 $0xFFFFC000  }
0x1b: {  	p0 =	sne.s32 s31, $0x1;
	_ =	swait.ge [sflag:s13], $0x4000  }
.Ltmp0:
0x1c: {  	s30 =	sshll.u32 s16, $0x4;
	[sflag:s13] =	ssyncset.done $0x0;
	(pc) =	sbr.rel @!p0 .LBB2_2-.Ltmp0, $4  }
0x1d: {  	s14 =	sadd.s32 s15, s30;
	[sflag:s13] =	ssyncadd.s32 $0xFFFFC000  }
0x1e: {  	[hbm4b:s14+s3] =	stream.linear.scatter [tilespmem:s7], [sflag:$0x2], $0x10000, $0x38;
	[tilespmem:$0x10200] =	vst v63  }
0x1f: {  	_ =	swait.ge [sflag:s4], $0x10000  }
0x20: {  	s15 =	sadd.s32 $0xFFFFFFFF, s31;
	[sflag:s4] =	ssyncset.done $0x0  }
.LBB2_1:
0x21: {  	p0 =	sne.s32 s15, $0x1;
	s15 =	sadd.s32 $0xFFFFFFFF, s15;
	[sflag:s4] =	ssyncadd.s32 $0xFFFF0000  }
0x22: {  	[tilespmem:s3], [sflag:$0x2] =	stream.linear.gather [hbm4b:s5+s3], $0x200, $0x38;
	[tilespmem:$0x10200] =	vst v63  }
0x23: {  	_ =	swait.ge [sflag:s4], $0x200  }
0x24: {  	[sflag:s4] =	ssyncset.done $0x0  }
0x25: {  	[sflag:s4] =	ssyncadd.s32 $0xFFFFFE00  }
0x26: {  	[tilespmem:s7], [sflag:$0x1] =	stream.indirect.gather [hbm4b:s1+s6], $0x80, s3, s6, $0xb8;
	[tilespmem:$0x10200] =	vst v63  }
0x27: {  	_ = 	snop  }
0x28: {  	[tilespmem:s8], [sflag:$0x1] =	stream.indirect.gather [hbm4b:s1+s6], $0x80, s6, s6, $0xb8;
	[tilespmem:$0x10200] =	vst v63  }
0x29: {  	_ = 	snop  }
0x2a: {  	[tilespmem:s10], [sflag:$0x1] =	stream.indirect.gather [hbm4b:s1+s6], $0x80, s9, s6, $0xb8;
	[tilespmem:$0x10200] =	vst v63  }
0x2b: {  	_ = 	snop  }
0x2c: {  	[tilespmem:s12], [sflag:$0x1] =	stream.indirect.gather [hbm4b:s1+s6], $0x80, s11, s6, $0xb8;
	[tilespmem:$0x10200] =	vst v63  }
0x2d: {  	_ =	swait.ge [sflag:s13], $0x4000  }
0x2e: {  	[sflag:s13] =	ssyncset.done $0x0  }
0x2f: {  	[sflag:s13] =	ssyncadd.s32 $0xFFFFC000  }
0x30: {  	_ =	swait.ge [sflag:s13], $0x4000  }
0x31: {  	[sflag:s13] =	ssyncset.done $0x0  }
0x32: {  	[sflag:s13] =	ssyncadd.s32 $0xFFFFC000  }
0x33: {  	_ =	swait.ge [sflag:s13], $0x4000  }
0x34: {  	[sflag:s13] =	ssyncset.done $0x0  }
0x35: {  	[sflag:s13] =	ssyncadd.s32 $0xFFFFC000  }
0x36: {  	_ =	swait.ge [sflag:s13], $0x4000  }
.Ltmp1:
0x37: {  	[sflag:s13] =	ssyncset.done $0x0;
	(pc) =	sbr.rel @p0 .LBB2_1-.Ltmp1, $4  }
0x38: {  	[sflag:s13] =	ssyncadd.s32 $0xFFFFC000  }
0x39: {  	[hbm4b:s14+s3] =	stream.linear.scatter [tilespmem:s7], [sflag:$0x2], $0x10000, $0x38;
	[tilespmem:$0x10200] =	vst v63  }
0x3a: {  	_ =	swait.ge [sflag:s4], $0x10000  }
0x3b: {  	[sflag:s4] =	ssyncset.done $0x0  }
.LBB2_2:
0x3c: {  	[sflag:s4] =	ssyncadd.s32 $0xFFFF0000  }
0x3d: {  	_ =	sfence.sel $0x180000  }
0x3e: {  	[bflag:$0x0] =	sbarrier.arrive $0xFFFF  }
0x3f: {  	p0 =	sne.s32 s0, $0x0;
	_ =	strace $0x90000047  }
0x40: {  	s0 =	sadd.s32 @!p0 $0x100000, s2;
	[bflag:$0x2] =	sbarrier.arrive $0xFFFF  }
0x41: {  	[sflag:s0] =	ssyncadd.tile.s32 @!p0 $0x1;
	_ =	shalt  }
.Lfunc_end2:
_tile_overlayer_lowered:
.L_overlay_start_2:
0x42: {  	(tag) =	ssettag $0x2  }
0x43: {  	s0 =	rddreg [dreg:$0x0];
	s2 =	stileid.u32  }
0x44: {  	s1 =	rddreg [dreg:$0x1];
	p0 =	sne.s32 s2, $0x0  }
0x45: {  	s3 =	rddreg [dreg:$0x2];
	[bflag:$0x3] =	sbarrier.arrive $0xFFFF;
	s2 =	simm.s32 @!p0 $0x1C02  }
0x46: {  	[timem:s3], [sflag:s2] =	dma.local @!p0 [hbm:s0], s1  }
0x47: {  	s0 =	simm.s32 @!p0 $0x2  }
0x48: {  	_ =	swait.ge @!p0 [sflag:s0], s1  }
0x49: {  	s1 =	ssub.s32 @!p0 $0x0, s1;
	[sflag:s0] =	ssyncset.done @!p0 $0x0  }
0x4a: {  	[sflag:s0] =	ssyncadd.s32 @!p0 s1  }
0x4b: {  	[bflag:$0x3] =	sbarrier.arrive $0xFFFF  }
0x4c: {  	_ =	shalt  }

</sc_bundles>
